<compile_context>
chip_gen: v7x
topology: tpu7x:2x2x1
jax: 0.10.2.dev20260603
libtpu: 0.0.44.dev20260713+nightly
codegen_flags: <defaults>
</compile_context>

<pallas_src>
import functools

import jax
import jax.numpy as jnp
from jax import lax
from jax.experimental import pallas as pl
from jax.experimental.pallas import tpu as pltpu
from jax.experimental.pallas import tpu_sc as plsc

NUM_CORES = 2
NUM_SUBCORES = 16
NW = NUM_CORES * NUM_SUBCORES
CH = 128


def _sc_gather(tok_table, ids_2d, n_chunks, hidden):
    mesh = plsc.VectorSubcoreMesh(
        core_axis_name="c", subcore_axis_name="s",
        num_cores=NUM_CORES, num_subcores=NUM_SUBCORES)

    @functools.partial(
        pl.kernel,
        out_type=jax.ShapeDtypeStruct((NW, n_chunks, CH, hidden), jnp.float32),
        mesh=mesh,
        scratch_types=[
            pltpu.VMEM((n_chunks * CH,), jnp.int32),
            pltpu.VMEM((CH, hidden), jnp.float32),
            pltpu.VMEM((CH, hidden), jnp.float32),
            pltpu.SemaphoreType.DMA,
            pltpu.SemaphoreType.DMA,
            pltpu.SemaphoreType.DMA,
            pltpu.SemaphoreType.DMA,
        ],
    )
    def gather_kernel(table_hbm, ids_hbm, out_hbm, idx_v, buf0, buf1,
                      gsem0, gsem1, osem0, osem1):
        wid = lax.axis_index("s") * NUM_CORES + lax.axis_index("c")
        pltpu.sync_copy(ids_hbm.at[wid], idx_v)
        bufs = (buf0, buf1)
        gsems = (gsem0, gsem1)
        osems = (osem0, osem1)

        def g_rows(c):
            return idx_v.at[pl.ds(c * CH, CH)]

        pltpu.async_copy(table_hbm.at[g_rows(0)], buf0, gsem0)

        def wave(i, _):
            for k in range(2):
                c = i * 2 + k
                buf, gsem, osem = bufs[k], gsems[k], osems[k]
                nbuf, ngsem, nosem = (bufs[1 - k], gsems[1 - k],
                                      osems[1 - k])

                @pl.when(c + 1 < n_chunks)
                def _():
                    @pl.when(c >= 1)
                    def _():
                        pltpu.make_async_copy(
                            nbuf, out_hbm.at[wid, c - 1], nosem).wait()
                    pltpu.async_copy(
                        table_hbm.at[g_rows(c + 1)], nbuf, ngsem)

                pltpu.make_async_copy(
                    table_hbm.at[g_rows(c)], buf, gsem).wait()
                pltpu.async_copy(buf, out_hbm.at[wid, c], osem)
            return 0

        lax.fori_loop(0, n_chunks // 2, wave, 0)
        if n_chunks % 2:
            last = n_chunks - 1
            pltpu.make_async_copy(
                table_hbm.at[g_rows(last)], buf0, gsem0).wait()
            pltpu.async_copy(buf0, out_hbm.at[wid, last], osem0)
            pltpu.make_async_copy(
                buf1, out_hbm.at[wid, last - 1], osem1).wait()
            pltpu.make_async_copy(
                buf0, out_hbm.at[wid, last], osem0).wait()
        else:
            pltpu.make_async_copy(
                buf0, out_hbm.at[wid, n_chunks - 2], osem0).wait()
            pltpu.make_async_copy(
                buf1, out_hbm.at[wid, n_chunks - 1], osem1).wait()

    return gather_kernel(tok_table, ids_2d)


def _tc_finish(embed, onehot, pos_slab, combo8, gb, rows_blk, n_total,
               blk_off, prev_out=None):
    n, hidden = embed.shape

    def body(*refs):
        if prev_out is None:
            emb_ref, oh_ref, pos_ref, combo_ref, gb_ref, out_ref = refs
        else:
            _, emb_ref, oh_ref, pos_ref, combo_ref, gb_ref, out_ref = refs
        x = emb_ref[...] + pos_ref[...]
        x = x + lax.dot_general(
            oh_ref[...], combo_ref[...], (((0,), (0,)), ((), ())),
            preferred_element_type=jnp.float32,
            precision=lax.Precision.HIGHEST)
        mean = jnp.mean(x, axis=-1, keepdims=True)
        xc = x - mean
        var = jnp.mean(xc * xc, axis=-1, keepdims=True)
        y = xc * lax.rsqrt(var + 1e-5)
        gbv = gb_ref[...]
        out_ref[...] = y * gbv[0:1, :] + gbv[1:2, :]

    in_specs = [
        pl.BlockSpec((rows_blk, hidden), lambda i: (i, 0)),
        pl.BlockSpec((8, rows_blk), lambda i: (0, i)),
        pl.BlockSpec((rows_blk, hidden), lambda i: (0, 0)),
        pl.BlockSpec((8, hidden), lambda i: (0, 0)),
        pl.BlockSpec((8, hidden), lambda i: (0, 0)),
    ]
    args = [embed, onehot, pos_slab, combo8, gb]
    aliases = {}
    if prev_out is not None:
        in_specs = [pl.BlockSpec((8, hidden), lambda i: (0, 0))] + in_specs
        args = [prev_out] + args
        aliases = {0: 0}

    return pl.pallas_call(
        body,
        grid=(n // rows_blk,),
        in_specs=in_specs,
        out_specs=pl.BlockSpec((rows_blk, hidden),
                               lambda i: (i + blk_off, 0)),
        out_shape=jax.ShapeDtypeStruct((n_total, hidden), jnp.float32),
        input_output_aliases=aliases,
    )(*args)


def kernel(input_ids, segment_ids, tok_table, pos_table, seg_table, gamma,
           beta):
    bsz, sent_len = input_ids.shape
    hidden = tok_table.shape[1]
    n_tok = bsz * sent_len
    assert n_tok % (NW * CH) == 0
    n_chunks = n_tok // (NW * CH)
    per_w = n_chunks * CH

    n_slices = 2
    n_sl = n_tok // n_slices
    ids_sl = input_ids.reshape(n_slices, NW, per_w // n_slices)
    gathered = [
        _sc_gather(tok_table, ids_sl[s], n_chunks // n_slices, hidden)
        for s in range(n_slices)
    ]

    tok0 = tok_table[0:1]
    combo8 = jnp.concatenate(
        [seg_table[0:1], seg_table[1:2],
         seg_table[0:1] - tok0, seg_table[1:2] - tok0,
         jnp.zeros((4, hidden), jnp.float32)], axis=0)
    combo_idx = (segment_ids + 2 * (input_ids == 0)).reshape(n_tok)
    onehot_t = (jnp.arange(8)[:, None] == combo_idx[None, :]).astype(
        jnp.float32)

    rows_blk = 32 * sent_len
    pos_slab = jnp.tile(pos_table[:sent_len], (32, 1))
    gb = jnp.concatenate(
        [gamma[None, :], beta[None, :], jnp.zeros((6, hidden), jnp.float32)],
        axis=0)
    blks_per_sl = n_sl // rows_blk
    out = None
    for s in range(n_slices):
        out = _tc_finish(
            gathered[s].reshape(n_sl, hidden),
            lax.dynamic_slice_in_dim(onehot_t, s * n_sl, n_sl, 1),
            pos_slab, combo8, gb, rows_blk, n_tok, s * blks_per_sl,
            prev_out=out)
    return out.reshape(bsz, sent_len, hidden)

# --- scband reference (transcript-rebuilt; emitter-appended) ---
"""Pipeline reference for scband-embedding-36979668418683 (READ-ONLY COPY).

The authoritative reference and input builder live on the scoring server;
editing this copy changes nothing except your own understanding.
"""

import jax, jax.numpy as jnp
import numpy as np

VOCAB = 100000
HIDDEN = 128
MAX_LEN = 512
NUM_SEG = 2
B = 1024
L = 200

def setup_inputs(seed: int = 0) -> dict:
    key = jax.random.key(seed)
    k1, k2, k3, k4, k5 = jax.random.split(key, 5)
    input_ids = jax.random.randint(k1, (B, L), 0, VOCAB, dtype=jnp.int64 if jax.config.jax_enable_x64 else jnp.int32).astype(jnp.int32)
    segment_ids = jax.random.randint(k2, (B, L), 0, NUM_SEG).astype(jnp.int32)
    tok_table = jax.random.normal(k3, (VOCAB, HIDDEN), dtype=jnp.float32)
    pos_table = jax.random.normal(k4, (MAX_LEN, HIDDEN), dtype=jnp.float32)
    seg_table = jax.random.normal(k5, (NUM_SEG, HIDDEN), dtype=jnp.float32)
    gamma = jnp.ones((HIDDEN,), dtype=jnp.float32)
    beta = jnp.zeros((HIDDEN,), dtype=jnp.float32)
    return {"input_ids": input_ids, "segment_ids": segment_ids, "tok_table": tok_table, "pos_table": pos_table, "seg_table": seg_table, "gamma": gamma, "beta": beta}

def _layer_norm(x, gamma, beta, eps=1e-5):
    mean = jnp.mean(x, axis=-1, keepdims=True)
    var = jnp.mean(jnp.square(x - mean), axis=-1, keepdims=True)
    xhat = (x - mean) / jnp.sqrt(var + eps)
    return xhat * gamma + beta

def reference(input_ids, segment_ids, tok_table, pos_table, seg_table, gamma, beta):
    bsz, sent_len = input_ids.shape
    # padding_idx=0 semantics: row 0 of tok embedding is zeros
    tok = tok_table.at[0].set(0.0)
    pos = jnp.arange(sent_len, dtype=jnp.int32)
    pos = jnp.broadcast_to(pos[None, :], (bsz, sent_len))
    embed = jnp.take(tok, input_ids, axis=0) + jnp.take(pos_table, pos, axis=0) + jnp.take(seg_table, segment_ids, axis=0)
    return _layer_norm(embed, gamma, beta)

if __name__ == "__main__":
    import jax
    _d = setup_inputs()
    print(jax.jit(kernel)(*tuple(_d.values())))

</pallas_src>

<mosaic_0001>
#map = affine_map<(d0, d1) -> (0, 0)>
#map1 = affine_map<(d0, d1) -> (0, 0, 0, 0)>
module attributes {stable_mosaic.version = 14 : i64} {
  func.func @gather_kernel(%arg0: i32, %arg1: i32, %arg2: memref<100000x128xf32, #tpu.memory_space<hbm>>, %arg3: memref<32x3200xi32, #tpu.memory_space<hbm>>, %arg4: memref<32x25x128x128xf32, #tpu.memory_space<hbm>>, %arg5: memref<3200xi32, #tpu.memory_space<vmem>>, %arg6: memref<128x128xf32, #tpu.memory_space<vmem>>, %arg7: memref<128x128xf32, #tpu.memory_space<vmem>>, %arg8: memref<!tpu.dma_semaphore, #tpu.memory_space<semaphore_mem>>, %arg9: memref<!tpu.dma_semaphore, #tpu.memory_space<semaphore_mem>>, %arg10: memref<!tpu.dma_semaphore, #tpu.memory_space<semaphore_mem>>, %arg11: memref<!tpu.dma_semaphore, #tpu.memory_space<semaphore_mem>>) attributes {dimension_semantics = [#tpu.dimension_semantics<core_parallel>, #tpu.dimension_semantics<subcore_parallel>], iteration_bounds = array<i64: 2, 16>, scalar_prefetch = 0 : i64, scratch_operands = 7 : i64, tpu.core_type = #tpu.core_type<sc_vector_subcore>, window_params = [{transform_indices = #map}, {transform_indices = #map}, {transform_indices = #map1}]} {
    %mul3A = arith.constant 2 : i32
    %mul3A_0 = arith.muli %arg1, %mul3A : i32
    %add3A = arith.addi %mul3A_0, %arg0 : i32
    "tpu.region"() ({
      %run_scoped3A = tpu.sem_alloc : memref<!tpu.dma_semaphore, #tpu.memory_space<semaphore_mem>>
      %dma_start3A_42 = arith.constant 0 : i32
      %dma_start3A_43 = tpu.memref_slice %arg3[%add3A, %dma_start3A_42] : memref<32x3200xi32, #tpu.memory_space<hbm>> -> memref<1x3200xi32, #tpu.memory_space<hbm>>
      %dma_start3A_44 = tpu.memref_squeeze %dma_start3A_43 : memref<1x3200xi32, #tpu.memory_space<hbm>> -> memref<3200xi32, #tpu.memory_space<hbm>>
      %dma_start3A_45 = arith.constant 0 : i32
      %dma_start3A_46 = tpu.memref_slice %arg3[%add3A, %dma_start3A_45] : memref<32x3200xi32, #tpu.memory_space<hbm>> -> memref<1x3200xi32, #tpu.memory_space<hbm>>
      %dma_start3A_47 = tpu.memref_squeeze %dma_start3A_46 : memref<1x3200xi32, #tpu.memory_space<hbm>> -> memref<3200xi32, #tpu.memory_space<hbm>>
      tpu.enqueue_dma source(%dma_start3A_47 : memref<3200xi32, #tpu.memory_space<hbm>>) target(%arg5 : memref<3200xi32, #tpu.memory_space<vmem>>) target_semaphore(%run_scoped3A : memref<!tpu.dma_semaphore, #tpu.memory_space<semaphore_mem>>)
      %dma_wait3A_48 = arith.constant 0 : i32
      %dma_wait3A_49 = tpu.memref_slice %arg3[%add3A, %dma_wait3A_48] : memref<32x3200xi32, #tpu.memory_space<hbm>> -> memref<1x3200xi32, #tpu.memory_space<hbm>>
      %dma_wait3A_50 = tpu.memref_squeeze %dma_wait3A_49 : memref<1x3200xi32, #tpu.memory_space<hbm>> -> memref<3200xi32, #tpu.memory_space<hbm>>
      %dma_wait3A_51 = arith.constant 0 : i32
      %dma_wait3A_52 = tpu.memref_slice %arg3[%add3A, %dma_wait3A_51] : memref<32x3200xi32, #tpu.memory_space<hbm>> -> memref<1x3200xi32, #tpu.memory_space<hbm>>
      %dma_wait3A_53 = tpu.memref_squeeze %dma_wait3A_52 : memref<1x3200xi32, #tpu.memory_space<hbm>> -> memref<3200xi32, #tpu.memory_space<hbm>>
      tpu.wait_dma2 semaphore(%run_scoped3A : memref<!tpu.dma_semaphore, #tpu.memory_space<semaphore_mem>>) src(%dma_wait3A_53 : memref<3200xi32, #tpu.memory_space<hbm>>) dst(%arg5 : memref<3200xi32, #tpu.memory_space<vmem>>)
      tpu.yield
    }) : () -> ()
    %dma_start3A = arith.constant 0 : i32
    %dma_start3A_1 = tpu.memref_slice %arg5[%dma_start3A] : memref<3200xi32, #tpu.memory_space<vmem>> -> memref<128xi32, #tpu.memory_space<vmem>>
    %dma_start3A_2 = arith.constant 0 : i32
    %dma_start3A_3 = arith.constant 0 : i32
    %dma_start3A_4 = tpu.memref_slice %arg2[%dma_start3A_2, %dma_start3A_3] : memref<100000x128xf32, #tpu.memory_space<hbm>> -> memref<100000x128xf32, #tpu.memory_space<hbm>>
    tpu.enqueue_indirect_dma source(%dma_start3A_4 : memref<100000x128xf32, #tpu.memory_space<hbm>>) target(%arg6 : memref<128x128xf32, #tpu.memory_space<vmem>>) offsets(%dma_start3A_1 : memref<128xi32, #tpu.memory_space<vmem>>) semaphore(%arg8 : memref<!tpu.dma_semaphore, #tpu.memory_space<semaphore_mem>>)
    %scan3A = arith.constant 0 : i32
    %scan3A_5 = arith.constant 0 : i32
    %scan3A_6 = arith.constant 12 : i32
    %scan3A_7 = arith.addi %scan3A_5, %scan3A_6 : i32
    %scan3A_8 = arith.constant 1 : i32
    %scan3A_9 = scf.for %scan3A_42 = %scan3A_5 to %scan3A_7 step %scan3A_8 iter_args(%scan3A_43 = %scan3A) -> (i32)  : i32 {
      %mul3A_44 = arith.constant 2 : i32
      %mul3A_45 = arith.muli %scan3A_42, %mul3A_44 : i32
      %add3A_46 = arith.constant 0 : i32
      %add3A_47 = arith.addi %mul3A_45, %add3A_46 : i32
      %add3A_48 = arith.constant 1 : i32
      %add3A_49 = arith.addi %add3A_47, %add3A_48 : i32
      %lt3A = arith.constant 25 : i32
      %lt3A_50 = arith.cmpi slt, %add3A_49, %lt3A : i32
      %convert_element_type3A = arith.extui %lt3A_50 : i1 to i32
      %cond3A = arith.constant 0 : i32
      %cond3A_51 = arith.cmpi ne, %convert_element_type3A, %cond3A : i32
      scf.if %cond3A_51 {
        %ge3A = arith.constant 1 : i32
        %ge3A_92 = arith.cmpi sge, %add3A_47, %ge3A : i32
        %convert_element_type3A_93 = arith.extui %ge3A_92 : i1 to i32
        %cond3A_94 = arith.constant 0 : i32
        %cond3A_95 = arith.cmpi ne, %convert_element_type3A_93, %cond3A_94 : i32
        scf.if %cond3A_95 {
          %sub3A = arith.constant 1 : i32
          %sub3A_104 = arith.subi %add3A_47, %sub3A : i32
          %dma_wait3A_105 = arith.constant 0 : i32
          %dma_wait3A_106 = arith.constant 0 : i32
          %dma_wait3A_107 = tpu.memref_slice %arg4[%add3A, %sub3A_104, %dma_wait3A_105, %dma_wait3A_106] : memref<32x25x128x128xf32, #tpu.memory_space<hbm>> -> memref<1x1x128x128xf32, #tpu.memory_space<hbm>>
          %dma_wait3A_108 = tpu.memref_squeeze %dma_wait3A_107 : memref<1x1x128x128xf32, #tpu.memory_space<hbm>> -> memref<128x128xf32, #tpu.memory_space<hbm>>
          %dma_wait3A_109 = arith.constant 0 : i32
          %dma_wait3A_110 = arith.constant 0 : i32
          %dma_wait3A_111 = tpu.memref_slice %arg4[%add3A, %sub3A_104, %dma_wait3A_109, %dma_wait3A_110] : memref<32x25x128x128xf32, #tpu.memory_space<hbm>> -> memref<1x1x128x128xf32, #tpu.memory_space<hbm>>
          %dma_wait3A_112 = tpu.memref_squeeze %dma_wait3A_111 : memref<1x1x128x128xf32, #tpu.memory_space<hbm>> -> memref<128x128xf32, #tpu.memory_space<hbm>>
          tpu.wait_dma2 semaphore(%arg11 : memref<!tpu.dma_semaphore, #tpu.memory_space<semaphore_mem>>) src(%arg7 : memref<128x128xf32, #tpu.memory_space<vmem>>) dst(%dma_wait3A_112 : memref<128x128xf32, #tpu.memory_space<hbm>>)
        } else {
        }
        %add3A_96 = arith.constant 1 : i32
        %add3A_97 = arith.addi %add3A_47, %add3A_96 : i32
        %mul3A_98 = arith.constant 128 : i32
        %mul3A_99 = arith.muli %add3A_97, %mul3A_98 : i32
        %dma_start3A_100 = tpu.memref_slice %arg5[%mul3A_99] : memref<3200xi32, #tpu.memory_space<vmem>> -> memref<128xi32, #tpu.memory_space<vmem>>
        %dma_start3A_101 = arith.constant 0 : i32
        %dma_start3A_102 = arith.constant 0 : i32
        %dma_start3A_103 = tpu.memref_slice %arg2[%dma_start3A_101, %dma_start3A_102] : memref<100000x128xf32, #tpu.memory_space<hbm>> -> memref<100000x128xf32, #tpu.memory_space<hbm>>
        tpu.enqueue_indirect_dma source(%dma_start3A_103 : memref<100000x128xf32, #tpu.memory_space<hbm>>) target(%arg7 : memref<128x128xf32, #tpu.memory_space<vmem>>) offsets(%dma_start3A_100 : memref<128xi32, #tpu.memory_space<vmem>>) semaphore(%arg9 : memref<!tpu.dma_semaphore, #tpu.memory_space<semaphore_mem>>)
      } else {
      }
      %mul3A_52 = arith.constant 128 : i32
      %mul3A_53 = arith.muli %add3A_47, %mul3A_52 : i32
      %dma_wait3A_54 = tpu.memref_slice %arg5[%mul3A_53] : memref<3200xi32, #tpu.memory_space<vmem>> -> memref<128xi32, #tpu.memory_space<vmem>>
      %dma_wait3A_55 = arith.constant 0 : i32
      %dma_wait3A_56 = arith.constant 0 : i32
      %dma_wait3A_57 = tpu.memref_slice %arg2[%dma_wait3A_55, %dma_wait3A_56] : memref<100000x128xf32, #tpu.memory_space<hbm>> -> memref<100000x128xf32, #tpu.memory_space<hbm>>
      tpu.wait_indirect_dma semaphore(%arg8 : memref<!tpu.dma_semaphore, #tpu.memory_space<semaphore_mem>>) src(%dma_wait3A_57 : memref<100000x128xf32, #tpu.memory_space<hbm>>) dst(%arg6 : memref<128x128xf32, #tpu.memory_space<vmem>>)
      %dma_start3A_58 = arith.constant 0 : i32
      %dma_start3A_59 = arith.constant 0 : i32
      %dma_start3A_60 = tpu.memref_slice %arg4[%add3A, %add3A_47, %dma_start3A_58, %dma_start3A_59] : memref<32x25x128x128xf32, #tpu.memory_space<hbm>> -> memref<1x1x128x128xf32, #tpu.memory_space<hbm>>
      %dma_start3A_61 = tpu.memref_squeeze %dma_start3A_60 : memref<1x1x128x128xf32, #tpu.memory_space<hbm>> -> memref<128x128xf32, #tpu.memory_space<hbm>>
      %dma_start3A_62 = arith.constant 0 : i32
      %dma_start3A_63 = arith.constant 0 : i32
      %dma_start3A_64 = tpu.memref_slice %arg4[%add3A, %add3A_47, %dma_start3A_62, %dma_start3A_63] : memref<32x25x128x128xf32, #tpu.memory_space<hbm>> -> memref<1x1x128x128xf32, #tpu.memory_space<hbm>>
      %dma_start3A_65 = tpu.memref_squeeze %dma_start3A_64 : memref<1x1x128x128xf32, #tpu.memory_space<hbm>> -> memref<128x128xf32, #tpu.memory_space<hbm>>
      tpu.enqueue_dma source(%arg6 : memref<128x128xf32, #tpu.memory_space<vmem>>) target(%dma_start3A_65 : memref<128x128xf32, #tpu.memory_space<hbm>>) target_semaphore(%arg10 : memref<!tpu.dma_semaphore, #tpu.memory_space<semaphore_mem>>)
      %mul3A_66 = arith.constant 2 : i32
      %mul3A_67 = arith.muli %scan3A_42, %mul3A_66 : i32
      %add3A_68 = arith.constant 1 : i32
      %add3A_69 = arith.addi %mul3A_67, %add3A_68 : i32
      %add3A_70 = arith.constant 1 : i32
      %add3A_71 = arith.addi %add3A_69, %add3A_70 : i32
      %lt3A_72 = arith.constant 25 : i32
      %lt3A_73 = arith.cmpi slt, %add3A_71, %lt3A_72 : i32
      %convert_element_type3A_74 = arith.extui %lt3A_73 : i1 to i32
      %cond3A_75 = arith.constant 0 : i32
      %cond3A_76 = arith.cmpi ne, %convert_element_type3A_74, %cond3A_75 : i32
      scf.if %cond3A_76 {
        %ge3A = arith.constant 1 : i32
        %ge3A_92 = arith.cmpi sge, %add3A_69, %ge3A : i32
        %convert_element_type3A_93 = arith.extui %ge3A_92 : i1 to i32
        %cond3A_94 = arith.constant 0 : i32
        %cond3A_95 = arith.cmpi ne, %convert_element_type3A_93, %cond3A_94 : i32
        scf.if %cond3A_95 {
          %sub3A = arith.constant 1 : i32
          %sub3A_104 = arith.subi %add3A_69, %sub3A : i32
          %dma_wait3A_105 = arith.constant 0 : i32
          %dma_wait3A_106 = arith.constant 0 : i32
          %dma_wait3A_107 = tpu.memref_slice %arg4[%add3A, %sub3A_104, %dma_wait3A_105, %dma_wait3A_106] : memref<32x25x128x128xf32, #tpu.memory_space<hbm>> -> memref<1x1x128x128xf32, #tpu.memory_space<hbm>>
          %dma_wait3A_108 = tpu.memref_squeeze %dma_wait3A_107 : memref<1x1x128x128xf32, #tpu.memory_space<hbm>> -> memref<128x128xf32, #tpu.memory_space<hbm>>
          %dma_wait3A_109 = arith.constant 0 : i32
          %dma_wait3A_110 = arith.constant 0 : i32
          %dma_wait3A_111 = tpu.memref_slice %arg4[%add3A, %sub3A_104, %dma_wait3A_109, %dma_wait3A_110] : memref<32x25x128x128xf32, #tpu.memory_space<hbm>> -> memref<1x1x128x128xf32, #tpu.memory_space<hbm>>
          %dma_wait3A_112 = tpu.memref_squeeze %dma_wait3A_111 : memref<1x1x128x128xf32, #tpu.memory_space<hbm>> -> memref<128x128xf32, #tpu.memory_space<hbm>>
          tpu.wait_dma2 semaphore(%arg10 : memref<!tpu.dma_semaphore, #tpu.memory_space<semaphore_mem>>) src(%arg6 : memref<128x128xf32, #tpu.memory_space<vmem>>) dst(%dma_wait3A_112 : memref<128x128xf32, #tpu.memory_space<hbm>>)
        } else {
        }
        %add3A_96 = arith.constant 1 : i32
        %add3A_97 = arith.addi %add3A_69, %add3A_96 : i32
        %mul3A_98 = arith.constant 128 : i32
        %mul3A_99 = arith.muli %add3A_97, %mul3A_98 : i32
        %dma_start3A_100 = tpu.memref_slice %arg5[%mul3A_99] : memref<3200xi32, #tpu.memory_space<vmem>> -> memref<128xi32, #tpu.memory_space<vmem>>
        %dma_start3A_101 = arith.constant 0 : i32
        %dma_start3A_102 = arith.constant 0 : i32
        %dma_start3A_103 = tpu.memref_slice %arg2[%dma_start3A_101, %dma_start3A_102] : memref<100000x128xf32, #tpu.memory_space<hbm>> -> memref<100000x128xf32, #tpu.memory_space<hbm>>
        tpu.enqueue_indirect_dma source(%dma_start3A_103 : memref<100000x128xf32, #tpu.memory_space<hbm>>) target(%arg6 : memref<128x128xf32, #tpu.memory_space<vmem>>) offsets(%dma_start3A_100 : memref<128xi32, #tpu.memory_space<vmem>>) semaphore(%arg8 : memref<!tpu.dma_semaphore, #tpu.memory_space<semaphore_mem>>)
      } else {
      }
      %mul3A_77 = arith.constant 128 : i32
      %mul3A_78 = arith.muli %add3A_69, %mul3A_77 : i32
      %dma_wait3A_79 = tpu.memref_slice %arg5[%mul3A_78] : memref<3200xi32, #tpu.memory_space<vmem>> -> memref<128xi32, #tpu.memory_space<vmem>>
      %dma_wait3A_80 = arith.constant 0 : i32
      %dma_wait3A_81 = arith.constant 0 : i32
      %dma_wait3A_82 = tpu.memref_slice %arg2[%dma_wait3A_80, %dma_wait3A_81] : memref<100000x128xf32, #tpu.memory_space<hbm>> -> memref<100000x128xf32, #tpu.memory_space<hbm>>
      tpu.wait_indirect_dma semaphore(%arg9 : memref<!tpu.dma_semaphore, #tpu.memory_space<semaphore_mem>>) src(%dma_wait3A_82 : memref<100000x128xf32, #tpu.memory_space<hbm>>) dst(%arg7 : memref<128x128xf32, #tpu.memory_space<vmem>>)
      %dma_start3A_83 = arith.constant 0 : i32
      %dma_start3A_84 = arith.constant 0 : i32
      %dma_start3A_85 = tpu.memref_slice %arg4[%add3A, %add3A_69, %dma_start3A_83, %dma_start3A_84] : memref<32x25x128x128xf32, #tpu.memory_space<hbm>> -> memref<1x1x128x128xf32, #tpu.memory_space<hbm>>
      %dma_start3A_86 = tpu.memref_squeeze %dma_start3A_85 : memref<1x1x128x128xf32, #tpu.memory_space<hbm>> -> memref<128x128xf32, #tpu.memory_space<hbm>>
      %dma_start3A_87 = arith.constant 0 : i32
      %dma_start3A_88 = arith.constant 0 : i32
      %dma_start3A_89 = tpu.memref_slice %arg4[%add3A, %add3A_69, %dma_start3A_87, %dma_start3A_88] : memref<32x25x128x128xf32, #tpu.memory_space<hbm>> -> memref<1x1x128x128xf32, #tpu.memory_space<hbm>>
      %dma_start3A_90 = tpu.memref_squeeze %dma_start3A_89 : memref<1x1x128x128xf32, #tpu.memory_space<hbm>> -> memref<128x128xf32, #tpu.memory_space<hbm>>
      tpu.enqueue_dma source(%arg7 : memref<128x128xf32, #tpu.memory_space<vmem>>) target(%dma_start3A_90 : memref<128x128xf32, #tpu.memory_space<hbm>>) target_semaphore(%arg11 : memref<!tpu.dma_semaphore, #tpu.memory_space<semaphore_mem>>)
      %scan3A_91 = arith.constant 0 : i32
      scf.yield %scan3A_91 : i32
    }
    %scan3A_10 = arith.constant 12 : i32
    %dma_wait3A = arith.constant 3072 : i32
    %dma_wait3A_11 = tpu.memref_slice %arg5[%dma_wait3A] : memref<3200xi32, #tpu.memory_space<vmem>> -> memref<128xi32, #tpu.memory_space<vmem>>
    %dma_wait3A_12 = arith.constant 0 : i32
    %dma_wait3A_13 = arith.constant 0 : i32
    %dma_wait3A_14 = tpu.memref_slice %arg2[%dma_wait3A_12, %dma_wait3A_13] : memref<100000x128xf32, #tpu.memory_space<hbm>> -> memref<100000x128xf32, #tpu.memory_space<hbm>>
    tpu.wait_indirect_dma semaphore(%arg8 : memref<!tpu.dma_semaphore, #tpu.memory_space<semaphore_mem>>) src(%dma_wait3A_14 : memref<100000x128xf32, #tpu.memory_space<hbm>>) dst(%arg6 : memref<128x128xf32, #tpu.memory_space<vmem>>)
    %dma_start3A_15 = arith.constant 24 : i32
    %dma_start3A_16 = arith.constant 0 : i32
    %dma_start3A_17 = arith.constant 0 : i32
    %dma_start3A_18 = tpu.memref_slice %arg4[%add3A, %dma_start3A_15, %dma_start3A_16, %dma_start3A_17] : memref<32x25x128x128xf32, #tpu.memory_space<hbm>> -> memref<1x1x128x128xf32, #tpu.memory_space<hbm>>
    %dma_start3A_19 = tpu.memref_squeeze %dma_start3A_18 : memref<1x1x128x128xf32, #tpu.memory_space<hbm>> -> memref<128x128xf32, #tpu.memory_space<hbm>>
    %dma_start3A_20 = arith.constant 0 : i32
    %dma_start3A_21 = arith.constant 0 : i32
    %dma_start3A_22 = tpu.memref_slice %arg4[%add3A, %dma_start3A_15, %dma_start3A_20, %dma_start3A_21] : memref<32x25x128x128xf32, #tpu.memory_space<hbm>> -> memref<1x1x128x128xf32, #tpu.memory_space<hbm>>
    %dma_start3A_23 = tpu.memref_squeeze %dma_start3A_22 : memref<1x1x128x128xf32, #tpu.memory_space<hbm>> -> memref<128x128xf32, #tpu.memory_space<hbm>>
    tpu.enqueue_dma source(%arg6 : memref<128x128xf32, #tpu.memory_space<vmem>>) target(%dma_start3A_23 : memref<128x128xf32, #tpu.memory_space<hbm>>) target_semaphore(%arg10 : memref<!tpu.dma_semaphore, #tpu.memory_space<semaphore_mem>>)
    %dma_wait3A_24 = arith.constant 23 : i32
    %dma_wait3A_25 = arith.constant 0 : i32
    %dma_wait3A_26 = arith.constant 0 : i32
    %dma_wait3A_27 = tpu.memref_slice %arg4[%add3A, %dma_wait3A_24, %dma_wait3A_25, %dma_wait3A_26] : memref<32x25x128x128xf32, #tpu.memory_space<hbm>> -> memref<1x1x128x128xf32, #tpu.memory_space<hbm>>
    %dma_wait3A_28 = tpu.memref_squeeze %dma_wait3A_27 : memref<1x1x128x128xf32, #tpu.memory_space<hbm>> -> memref<128x128xf32, #tpu.memory_space<hbm>>
    %dma_wait3A_29 = arith.constant 0 : i32
    %dma_wait3A_30 = arith.constant 0 : i32
    %dma_wait3A_31 = tpu.memref_slice %arg4[%add3A, %dma_wait3A_24, %dma_wait3A_29, %dma_wait3A_30] : memref<32x25x128x128xf32, #tpu.memory_space<hbm>> -> memref<1x1x128x128xf32, #tpu.memory_space<hbm>>
    %dma_wait3A_32 = tpu.memref_squeeze %dma_wait3A_31 : memref<1x1x128x128xf32, #tpu.memory_space<hbm>> -> memref<128x128xf32, #tpu.memory_space<hbm>>
    tpu.wait_dma2 semaphore(%arg11 : memref<!tpu.dma_semaphore, #tpu.memory_space<semaphore_mem>>) src(%arg7 : memref<128x128xf32, #tpu.memory_space<vmem>>) dst(%dma_wait3A_32 : memref<128x128xf32, #tpu.memory_space<hbm>>)
    %dma_wait3A_33 = arith.constant 24 : i32
    %dma_wait3A_34 = arith.constant 0 : i32
    %dma_wait3A_35 = arith.constant 0 : i32
    %dma_wait3A_36 = tpu.memref_slice %arg4[%add3A, %dma_wait3A_33, %dma_wait3A_34, %dma_wait3A_35] : memref<32x25x128x128xf32, #tpu.memory_space<hbm>> -> memref<1x1x128x128xf32, #tpu.memory_space<hbm>>
    %dma_wait3A_37 = tpu.memref_squeeze %dma_wait3A_36 : memref<1x1x128x128xf32, #tpu.memory_space<hbm>> -> memref<128x128xf32, #tpu.memory_space<hbm>>
    %dma_wait3A_38 = arith.constant 0 : i32
    %dma_wait3A_39 = arith.constant 0 : i32
    %dma_wait3A_40 = tpu.memref_slice %arg4[%add3A, %dma_wait3A_33, %dma_wait3A_38, %dma_wait3A_39] : memref<32x25x128x128xf32, #tpu.memory_space<hbm>> -> memref<1x1x128x128xf32, #tpu.memory_space<hbm>>
    %dma_wait3A_41 = tpu.memref_squeeze %dma_wait3A_40 : memref<1x1x128x128xf32, #tpu.memory_space<hbm>> -> memref<128x128xf32, #tpu.memory_space<hbm>>
    tpu.wait_dma2 semaphore(%arg10 : memref<!tpu.dma_semaphore, #tpu.memory_space<semaphore_mem>>) src(%arg6 : memref<128x128xf32, #tpu.memory_space<vmem>>) dst(%dma_wait3A_41 : memref<128x128xf32, #tpu.memory_space<hbm>>)
    return
  }
}

#map = affine_map<(d0, d1) -> (0, 0)>
#map1 = affine_map<(d0, d1) -> (0, 0, 0, 0)>
module attributes {stable_mosaic.version = 14 : i64} {
  func.func @gather_kernel(%arg0: i32, %arg1: i32, %arg2: memref<100000x128xf32, #tpu.memory_space<hbm>>, %arg3: memref<32x3200xi32, #tpu.memory_space<hbm>>, %arg4: memref<32x25x128x128xf32, #tpu.memory_space<hbm>>, %arg5: memref<3200xi32, #tpu.memory_space<vmem>>, %arg6: memref<128x128xf32, #tpu.memory_space<vmem>>, %arg7: memref<128x128xf32, #tpu.memory_space<vmem>>, %arg8: memref<!tpu.dma_semaphore, #tpu.memory_space<semaphore_mem>>, %arg9: memref<!tpu.dma_semaphore, #tpu.memory_space<semaphore_mem>>, %arg10: memref<!tpu.dma_semaphore, #tpu.memory_space<semaphore_mem>>, %arg11: memref<!tpu.dma_semaphore, #tpu.memory_space<semaphore_mem>>) attributes {dimension_semantics = [#tpu.dimension_semantics<core_parallel>, #tpu.dimension_semantics<subcore_parallel>], iteration_bounds = array<i64: 2, 16>, scalar_prefetch = 0 : i64, scratch_operands = 7 : i64, tpu.core_type = #tpu.core_type<sc_vector_subcore>, window_params = [{transform_indices = #map}, {transform_indices = #map}, {transform_indices = #map1}]} {
    %mul3A = arith.constant 2 : i32
    %mul3A_0 = arith.muli %arg1, %mul3A : i32
    %add3A = arith.addi %mul3A_0, %arg0 : i32
    "tpu.region"() ({
      %run_scoped3A = tpu.sem_alloc : memref<!tpu.dma_semaphore, #tpu.memory_space<semaphore_mem>>
      %dma_start3A_42 = arith.constant 0 : i32
      %dma_start3A_43 = tpu.memref_slice %arg3[%add3A, %dma_start3A_42] : memref<32x3200xi32, #tpu.memory_space<hbm>> -> memref<1x3200xi32, #tpu.memory_space<hbm>>
      %dma_start3A_44 = tpu.memref_squeeze %dma_start3A_43 : memref<1x3200xi32, #tpu.memory_space<hbm>> -> memref<3200xi32, #tpu.memory_space<hbm>>
      %dma_start3A_45 = arith.constant 0 : i32
      %dma_start3A_46 = tpu.memref_slice %arg3[%add3A, %dma_start3A_45] : memref<32x3200xi32, #tpu.memory_space<hbm>> -> memref<1x3200xi32, #tpu.memory_space<hbm>>
      %dma_start3A_47 = tpu.memref_squeeze %dma_start3A_46 : memref<1x3200xi32, #tpu.memory_space<hbm>> -> memref<3200xi32, #tpu.memory_space<hbm>>
      tpu.enqueue_dma source(%dma_start3A_47 : memref<3200xi32, #tpu.memory_space<hbm>>) target(%arg5 : memref<3200xi32, #tpu.memory_space<vmem>>) target_semaphore(%run_scoped3A : memref<!tpu.dma_semaphore, #tpu.memory_space<semaphore_mem>>)
      %dma_wait3A_48 = arith.constant 0 : i32
      %dma_wait3A_49 = tpu.memref_slice %arg3[%add3A, %dma_wait3A_48] : memref<32x3200xi32, #tpu.memory_space<hbm>> -> memref<1x3200xi32, #tpu.memory_space<hbm>>
      %dma_wait3A_50 = tpu.memref_squeeze %dma_wait3A_49 : memref<1x3200xi32, #tpu.memory_space<hbm>> -> memref<3200xi32, #tpu.memory_space<hbm>>
      %dma_wait3A_51 = arith.constant 0 : i32
      %dma_wait3A_52 = tpu.memref_slice %arg3[%add3A, %dma_wait3A_51] : memref<32x3200xi32, #tpu.memory_space<hbm>> -> memref<1x3200xi32, #tpu.memory_space<hbm>>
      %dma_wait3A_53 = tpu.memref_squeeze %dma_wait3A_52 : memref<1x3200xi32, #tpu.memory_space<hbm>> -> memref<3200xi32, #tpu.memory_space<hbm>>
      tpu.wait_dma2 semaphore(%run_scoped3A : memref<!tpu.dma_semaphore, #tpu.memory_space<semaphore_mem>>) src(%dma_wait3A_53 : memref<3200xi32, #tpu.memory_space<hbm>>) dst(%arg5 : memref<3200xi32, #tpu.memory_space<vmem>>)
      tpu.yield
    }) : () -> ()
    %dma_start3A = arith.constant 0 : i32
    %dma_start3A_1 = tpu.memref_slice %arg5[%dma_start3A] : memref<3200xi32, #tpu.memory_space<vmem>> -> memref<128xi32, #tpu.memory_space<vmem>>
    %dma_start3A_2 = arith.constant 0 : i32
    %dma_start3A_3 = arith.constant 0 : i32
    %dma_start3A_4 = tpu.memref_slice %arg2[%dma_start3A_2, %dma_start3A_3] : memref<100000x128xf32, #tpu.memory_space<hbm>> -> memref<100000x128xf32, #tpu.memory_space<hbm>>
    tpu.enqueue_indirect_dma source(%dma_start3A_4 : memref<100000x128xf32, #tpu.memory_space<hbm>>) target(%arg6 : memref<128x128xf32, #tpu.memory_space<vmem>>) offsets(%dma_start3A_1 : memref<128xi32, #tpu.memory_space<vmem>>) semaphore(%arg8 : memref<!tpu.dma_semaphore, #tpu.memory_space<semaphore_mem>>)
    %scan3A = arith.constant 0 : i32
    %scan3A_5 = arith.constant 0 : i32
    %scan3A_6 = arith.constant 12 : i32
    %scan3A_7 = arith.addi %scan3A_5, %scan3A_6 : i32
    %scan3A_8 = arith.constant 1 : i32
    %scan3A_9 = scf.for %scan3A_42 = %scan3A_5 to %scan3A_7 step %scan3A_8 iter_args(%scan3A_43 = %scan3A) -> (i32)  : i32 {
      %mul3A_44 = arith.constant 2 : i32
      %mul3A_45 = arith.muli %scan3A_42, %mul3A_44 : i32
      %add3A_46 = arith.constant 0 : i32
      %add3A_47 = arith.addi %mul3A_45, %add3A_46 : i32
      %add3A_48 = arith.constant 1 : i32
      %add3A_49 = arith.addi %add3A_47, %add3A_48 : i32
      %lt3A = arith.constant 25 : i32
      %lt3A_50 = arith.cmpi slt, %add3A_49, %lt3A : i32
      %convert_element_type3A = arith.extui %lt3A_50 : i1 to i32
      %cond3A = arith.constant 0 : i32
      %cond3A_51 = arith.cmpi ne, %convert_element_type3A, %cond3A : i32
      scf.if %cond3A_51 {
        %ge3A = arith.constant 1 : i32
        %ge3A_92 = arith.cmpi sge, %add3A_47, %ge3A : i32
        %convert_element_type3A_93 = arith.extui %ge3A_92 : i1 to i32
        %cond3A_94 = arith.constant 0 : i32
        %cond3A_95 = arith.cmpi ne, %convert_element_type3A_93, %cond3A_94 : i32
        scf.if %cond3A_95 {
          %sub3A = arith.constant 1 : i32
          %sub3A_104 = arith.subi %add3A_47, %sub3A : i32
          %dma_wait3A_105 = arith.constant 0 : i32
          %dma_wait3A_106 = arith.constant 0 : i32
          %dma_wait3A_107 = tpu.memref_slice %arg4[%add3A, %sub3A_104, %dma_wait3A_105, %dma_wait3A_106] : memref<32x25x128x128xf32, #tpu.memory_space<hbm>> -> memref<1x1x128x128xf32, #tpu.memory_space<hbm>>
          %dma_wait3A_108 = tpu.memref_squeeze %dma_wait3A_107 : memref<1x1x128x128xf32, #tpu.memory_space<hbm>> -> memref<128x128xf32, #tpu.memory_space<hbm>>
          %dma_wait3A_109 = arith.constant 0 : i32
          %dma_wait3A_110 = arith.constant 0 : i32
          %dma_wait3A_111 = tpu.memref_slice %arg4[%add3A, %sub3A_104, %dma_wait3A_109, %dma_wait3A_110] : memref<32x25x128x128xf32, #tpu.memory_space<hbm>> -> memref<1x1x128x128xf32, #tpu.memory_space<hbm>>
          %dma_wait3A_112 = tpu.memref_squeeze %dma_wait3A_111 : memref<1x1x128x128xf32, #tpu.memory_space<hbm>> -> memref<128x128xf32, #tpu.memory_space<hbm>>
          tpu.wait_dma2 semaphore(%arg11 : memref<!tpu.dma_semaphore, #tpu.memory_space<semaphore_mem>>) src(%arg7 : memref<128x128xf32, #tpu.memory_space<vmem>>) dst(%dma_wait3A_112 : memref<128x128xf32, #tpu.memory_space<hbm>>)
        } else {
        }
        %add3A_96 = arith.constant 1 : i32
        %add3A_97 = arith.addi %add3A_47, %add3A_96 : i32
        %mul3A_98 = arith.constant 128 : i32
        %mul3A_99 = arith.muli %add3A_97, %mul3A_98 : i32
        %dma_start3A_100 = tpu.memref_slice %arg5[%mul3A_99] : memref<3200xi32, #tpu.memory_space<vmem>> -> memref<128xi32, #tpu.memory_space<vmem>>
        %dma_start3A_101 = arith.constant 0 : i32
        %dma_start3A_102 = arith.constant 0 : i32
        %dma_start3A_103 = tpu.memref_slice %arg2[%dma_start3A_101, %dma_start3A_102] : memref<100000x128xf32, #tpu.memory_space<hbm>> -> memref<100000x128xf32, #tpu.memory_space<hbm>>
        tpu.enqueue_indirect_dma source(%dma_start3A_103 : memref<100000x128xf32, #tpu.memory_space<hbm>>) target(%arg7 : memref<128x128xf32, #tpu.memory_space<vmem>>) offsets(%dma_start3A_100 : memref<128xi32, #tpu.memory_space<vmem>>) semaphore(%arg9 : memref<!tpu.dma_semaphore, #tpu.memory_space<semaphore_mem>>)
      } else {
      }
      %mul3A_52 = arith.constant 128 : i32
      %mul3A_53 = arith.muli %add3A_47, %mul3A_52 : i32
      %dma_wait3A_54 = tpu.memref_slice %arg5[%mul3A_53] : memref<3200xi32, #tpu.memory_space<vmem>> -> memref<128xi32, #tpu.memory_space<vmem>>
      %dma_wait3A_55 = arith.constant 0 : i32
      %dma_wait3A_56 = arith.constant 0 : i32
      %dma_wait3A_57 = tpu.memref_slice %arg2[%dma_wait3A_55, %dma_wait3A_56] : memref<100000x128xf32, #tpu.memory_space<hbm>> -> memref<100000x128xf32, #tpu.memory_space<hbm>>
      tpu.wait_indirect_dma semaphore(%arg8 : memref<!tpu.dma_semaphore, #tpu.memory_space<semaphore_mem>>) src(%dma_wait3A_57 : memref<100000x128xf32, #tpu.memory_space<hbm>>) dst(%arg6 : memref<128x128xf32, #tpu.memory_space<vmem>>)
      %dma_start3A_58 = arith.constant 0 : i32
      %dma_start3A_59 = arith.constant 0 : i32
      %dma_start3A_60 = tpu.memref_slice %arg4[%add3A, %add3A_47, %dma_start3A_58, %dma_start3A_59] : memref<32x25x128x128xf32, #tpu.memory_space<hbm>> -> memref<1x1x128x128xf32, #tpu.memory_space<hbm>>
      %dma_start3A_61 = tpu.memref_squeeze %dma_start3A_60 : memref<1x1x128x128xf32, #tpu.memory_space<hbm>> -> memref<128x128xf32, #tpu.memory_space<hbm>>
      %dma_start3A_62 = arith.constant 0 : i32
      %dma_start3A_63 = arith.constant 0 : i32
      %dma_start3A_64 = tpu.memref_slice %arg4[%add3A, %add3A_47, %dma_start3A_62, %dma_start3A_63] : memref<32x25x128x128xf32, #tpu.memory_space<hbm>> -> memref<1x1x128x128xf32, #tpu.memory_space<hbm>>
      %dma_start3A_65 = tpu.memref_squeeze %dma_start3A_64 : memref<1x1x128x128xf32, #tpu.memory_space<hbm>> -> memref<128x128xf32, #tpu.memory_space<hbm>>
      tpu.enqueue_dma source(%arg6 : memref<128x128xf32, #tpu.memory_space<vmem>>) target(%dma_start3A_65 : memref<128x128xf32, #tpu.memory_space<hbm>>) target_semaphore(%arg10 : memref<!tpu.dma_semaphore, #tpu.memory_space<semaphore_mem>>)
      %mul3A_66 = arith.constant 2 : i32
      %mul3A_67 = arith.muli %scan3A_42, %mul3A_66 : i32
      %add3A_68 = arith.constant 1 : i32
      %add3A_69 = arith.addi %mul3A_67, %add3A_68 : i32
      %add3A_70 = arith.constant 1 : i32
      %add3A_71 = arith.addi %add3A_69, %add3A_70 : i32
      %lt3A_72 = arith.constant 25 : i32
      %lt3A_73 = arith.cmpi slt, %add3A_71, %lt3A_72 : i32
      %convert_element_type3A_74 = arith.extui %lt3A_73 : i1 to i32
      %cond3A_75 = arith.constant 0 : i32
      %cond3A_76 = arith.cmpi ne, %convert_element_type3A_74, %cond3A_75 : i32
      scf.if %cond3A_76 {
        %ge3A = arith.constant 1 : i32
        %ge3A_92 = arith.cmpi sge, %add3A_69, %ge3A : i32
        %convert_element_type3A_93 = arith.extui %ge3A_92 : i1 to i32
        %cond3A_94 = arith.constant 0 : i32
        %cond3A_95 = arith.cmpi ne, %convert_element_type3A_93, %cond3A_94 : i32
        scf.if %cond3A_95 {
          %sub3A = arith.constant 1 : i32
          %sub3A_104 = arith.subi %add3A_69, %sub3A : i32
          %dma_wait3A_105 = arith.constant 0 : i32
          %dma_wait3A_106 = arith.constant 0 : i32
          %dma_wait3A_107 = tpu.memref_slice %arg4[%add3A, %sub3A_104, %dma_wait3A_105, %dma_wait3A_106] : memref<32x25x128x128xf32, #tpu.memory_space<hbm>> -> memref<1x1x128x128xf32, #tpu.memory_space<hbm>>
          %dma_wait3A_108 = tpu.memref_squeeze %dma_wait3A_107 : memref<1x1x128x128xf32, #tpu.memory_space<hbm>> -> memref<128x128xf32, #tpu.memory_space<hbm>>
          %dma_wait3A_109 = arith.constant 0 : i32
          %dma_wait3A_110 = arith.constant 0 : i32
          %dma_wait3A_111 = tpu.memref_slice %arg4[%add3A, %sub3A_104, %dma_wait3A_109, %dma_wait3A_110] : memref<32x25x128x128xf32, #tpu.memory_space<hbm>> -> memref<1x1x128x128xf32, #tpu.memory_space<hbm>>
          %dma_wait3A_112 = tpu.memref_squeeze %dma_wait3A_111 : memref<1x1x128x128xf32, #tpu.memory_space<hbm>> -> memref<128x128xf32, #tpu.memory_space<hbm>>
          tpu.wait_dma2 semaphore(%arg10 : memref<!tpu.dma_semaphore, #tpu.memory_space<semaphore_mem>>) src(%arg6 : memref<128x128xf32, #tpu.memory_space<vmem>>) dst(%dma_wait3A_112 : memref<128x128xf32, #tpu.memory_space<hbm>>)
        } else {
        }
        %add3A_96 = arith.constant 1 : i32
        %add3A_97 = arith.addi %add3A_69, %add3A_96 : i32
        %mul3A_98 = arith.constant 128 : i32
        %mul3A_99 = arith.muli %add3A_97, %mul3A_98 : i32
        %dma_start3A_100 = tpu.memref_slice %arg5[%mul3A_99] : memref<3200xi32, #tpu.memory_space<vmem>> -> memref<128xi32, #tpu.memory_space<vmem>>
        %dma_start3A_101 = arith.constant 0 : i32
        %dma_start3A_102 = arith.constant 0 : i32
        %dma_start3A_103 = tpu.memref_slice %arg2[%dma_start3A_101, %dma_start3A_102] : memref<100000x128xf32, #tpu.memory_space<hbm>> -> memref<100000x128xf32, #tpu.memory_space<hbm>>
        tpu.enqueue_indirect_dma source(%dma_start3A_103 : memref<100000x128xf32, #tpu.memory_space<hbm>>) target(%arg6 : memref<128x128xf32, #tpu.memory_space<vmem>>) offsets(%dma_start3A_100 : memref<128xi32, #tpu.memory_space<vmem>>) semaphore(%arg8 : memref<!tpu.dma_semaphore, #tpu.memory_space<semaphore_mem>>)
      } else {
      }
      %mul3A_77 = arith.constant 128 : i32
      %mul3A_78 = arith.muli %add3A_69, %mul3A_77 : i32
      %dma_wait3A_79 = tpu.memref_slice %arg5[%mul3A_78] : memref<3200xi32, #tpu.memory_space<vmem>> -> memref<128xi32, #tpu.memory_space<vmem>>
      %dma_wait3A_80 = arith.constant 0 : i32
      %dma_wait3A_81 = arith.constant 0 : i32
      %dma_wait3A_82 = tpu.memref_slice %arg2[%dma_wait3A_80, %dma_wait3A_81] : memref<100000x128xf32, #tpu.memory_space<hbm>> -> memref<100000x128xf32, #tpu.memory_space<hbm>>
      tpu.wait_indirect_dma semaphore(%arg9 : memref<!tpu.dma_semaphore, #tpu.memory_space<semaphore_mem>>) src(%dma_wait3A_82 : memref<100000x128xf32, #tpu.memory_space<hbm>>) dst(%arg7 : memref<128x128xf32, #tpu.memory_space<vmem>>)
      %dma_start3A_83 = arith.constant 0 : i32
      %dma_start3A_84 = arith.constant 0 : i32
      %dma_start3A_85 = tpu.memref_slice %arg4[%add3A, %add3A_69, %dma_start3A_83, %dma_start3A_84] : memref<32x25x128x128xf32, #tpu.memory_space<hbm>> -> memref<1x1x128x128xf32, #tpu.memory_space<hbm>>
      %dma_start3A_86 = tpu.memref_squeeze %dma_start3A_85 : memref<1x1x128x128xf32, #tpu.memory_space<hbm>> -> memref<128x128xf32, #tpu.memory_space<hbm>>
      %dma_start3A_87 = arith.constant 0 : i32
      %dma_start3A_88 = arith.constant 0 : i32
      %dma_start3A_89 = tpu.memref_slice %arg4[%add3A, %add3A_69, %dma_start3A_87, %dma_start3A_88] : memref<32x25x128x128xf32, #tpu.memory_space<hbm>> -> memref<1x1x128x128xf32, #tpu.memory_space<hbm>>
      %dma_start3A_90 = tpu.memref_squeeze %dma_start3A_89 : memref<1x1x128x128xf32, #tpu.memory_space<hbm>> -> memref<128x128xf32, #tpu.memory_space<hbm>>
      tpu.enqueue_dma source(%arg7 : memref<128x128xf32, #tpu.memory_space<vmem>>) target(%dma_start3A_90 : memref<128x128xf32, #tpu.memory_space<hbm>>) target_semaphore(%arg11 : memref<!tpu.dma_semaphore, #tpu.memory_space<semaphore_mem>>)
      %scan3A_91 = arith.constant 0 : i32
      scf.yield %scan3A_91 : i32
    }
    %scan3A_10 = arith.constant 12 : i32
    %dma_wait3A = arith.constant 3072 : i32
    %dma_wait3A_11 = tpu.memref_slice %arg5[%dma_wait3A] : memref<3200xi32, #tpu.memory_space<vmem>> -> memref<128xi32, #tpu.memory_space<vmem>>
    %dma_wait3A_12 = arith.constant 0 : i32
    %dma_wait3A_13 = arith.constant 0 : i32
    %dma_wait3A_14 = tpu.memref_slice %arg2[%dma_wait3A_12, %dma_wait3A_13] : memref<100000x128xf32, #tpu.memory_space<hbm>> -> memref<100000x128xf32, #tpu.memory_space<hbm>>
    tpu.wait_indirect_dma semaphore(%arg8 : memref<!tpu.dma_semaphore, #tpu.memory_space<semaphore_mem>>) src(%dma_wait3A_14 : memref<100000x128xf32, #tpu.memory_space<hbm>>) dst(%arg6 : memref<128x128xf32, #tpu.memory_space<vmem>>)
    %dma_start3A_15 = arith.constant 24 : i32
    %dma_start3A_16 = arith.constant 0 : i32
    %dma_start3A_17 = arith.constant 0 : i32
    %dma_start3A_18 = tpu.memref_slice %arg4[%add3A, %dma_start3A_15, %dma_start3A_16, %dma_start3A_17] : memref<32x25x128x128xf32, #tpu.memory_space<hbm>> -> memref<1x1x128x128xf32, #tpu.memory_space<hbm>>
    %dma_start3A_19 = tpu.memref_squeeze %dma_start3A_18 : memref<1x1x128x128xf32, #tpu.memory_space<hbm>> -> memref<128x128xf32, #tpu.memory_space<hbm>>
    %dma_start3A_20 = arith.constant 0 : i32
    %dma_start3A_21 = arith.constant 0 : i32
    %dma_start3A_22 = tpu.memref_slice %arg4[%add3A, %dma_start3A_15, %dma_start3A_20, %dma_start3A_21] : memref<32x25x128x128xf32, #tpu.memory_space<hbm>> -> memref<1x1x128x128xf32, #tpu.memory_space<hbm>>
    %dma_start3A_23 = tpu.memref_squeeze %dma_start3A_22 : memref<1x1x128x128xf32, #tpu.memory_space<hbm>> -> memref<128x128xf32, #tpu.memory_space<hbm>>
    tpu.enqueue_dma source(%arg6 : memref<128x128xf32, #tpu.memory_space<vmem>>) target(%dma_start3A_23 : memref<128x128xf32, #tpu.memory_space<hbm>>) target_semaphore(%arg10 : memref<!tpu.dma_semaphore, #tpu.memory_space<semaphore_mem>>)
    %dma_wait3A_24 = arith.constant 23 : i32
    %dma_wait3A_25 = arith.constant 0 : i32
    %dma_wait3A_26 = arith.constant 0 : i32
    %dma_wait3A_27 = tpu.memref_slice %arg4[%add3A, %dma_wait3A_24, %dma_wait3A_25, %dma_wait3A_26] : memref<32x25x128x128xf32, #tpu.memory_space<hbm>> -> memref<1x1x128x128xf32, #tpu.memory_space<hbm>>
    %dma_wait3A_28 = tpu.memref_squeeze %dma_wait3A_27 : memref<1x1x128x128xf32, #tpu.memory_space<hbm>> -> memref<128x128xf32, #tpu.memory_space<hbm>>
    %dma_wait3A_29 = arith.constant 0 : i32
    %dma_wait3A_30 = arith.constant 0 : i32
    %dma_wait3A_31 = tpu.memref_slice %arg4[%add3A, %dma_wait3A_24, %dma_wait3A_29, %dma_wait3A_30] : memref<32x25x128x128xf32, #tpu.memory_space<hbm>> -> memref<1x1x128x128xf32, #tpu.memory_space<hbm>>
    %dma_wait3A_32 = tpu.memref_squeeze %dma_wait3A_31 : memref<1x1x128x128xf32, #tpu.memory_space<hbm>> -> memref<128x128xf32, #tpu.memory_space<hbm>>
    tpu.wait_dma2 semaphore(%arg11 : memref<!tpu.dma_semaphore, #tpu.memory_space<semaphore_mem>>) src(%arg7 : memref<128x128xf32, #tpu.memory_space<vmem>>) dst(%dma_wait3A_32 : memref<128x128xf32, #tpu.memory_space<hbm>>)
    %dma_wait3A_33 = arith.constant 24 : i32
    %dma_wait3A_34 = arith.constant 0 : i32
    %dma_wait3A_35 = arith.constant 0 : i32
    %dma_wait3A_36 = tpu.memref_slice %arg4[%add3A, %dma_wait3A_33, %dma_wait3A_34, %dma_wait3A_35] : memref<32x25x128x128xf32, #tpu.memory_space<hbm>> -> memref<1x1x128x128xf32, #tpu.memory_space<hbm>>
    %dma_wait3A_37 = tpu.memref_squeeze %dma_wait3A_36 : memref<1x1x128x128xf32, #tpu.memory_space<hbm>> -> memref<128x128xf32, #tpu.memory_space<hbm>>
    %dma_wait3A_38 = arith.constant 0 : i32
    %dma_wait3A_39 = arith.constant 0 : i32
    %dma_wait3A_40 = tpu.memref_slice %arg4[%add3A, %dma_wait3A_33, %dma_wait3A_38, %dma_wait3A_39] : memref<32x25x128x128xf32, #tpu.memory_space<hbm>> -> memref<1x1x128x128xf32, #tpu.memory_space<hbm>>
    %dma_wait3A_41 = tpu.memref_squeeze %dma_wait3A_40 : memref<1x1x128x128xf32, #tpu.memory_space<hbm>> -> memref<128x128xf32, #tpu.memory_space<hbm>>
    tpu.wait_dma2 semaphore(%arg10 : memref<!tpu.dma_semaphore, #tpu.memory_space<semaphore_mem>>) src(%arg6 : memref<128x128xf32, #tpu.memory_space<vmem>>) dst(%dma_wait3A_41 : memref<128x128xf32, #tpu.memory_space<hbm>>)
    return
  }
}

module attributes {stable_mosaic.version = 14 : i64} {
  func.func @body(%arg0: i32, %arg1: memref<6400x128xf32, #tpu.memory_space<vmem>>, %arg2: memref<8x6400xf32, #tpu.memory_space<vmem>>, %arg3: memref<6400x128xf32, #tpu.memory_space<vmem>>, %arg4: memref<8x128xf32, #tpu.memory_space<vmem>>, %arg5: memref<8x128xf32, #tpu.memory_space<vmem>>, %arg6: memref<6400x128xf32, #tpu.memory_space<vmem>>) attributes {dimension_semantics = [#tpu.dimension_semantics<arbitrary>], iteration_bounds = array<i64: 16>, scalar_prefetch = 0 : i64, scratch_operands = 0 : i64, tpu.core_type = #tpu.core_type<tc>, window_params = [{transform_indices = @transform_0, window_bounds = array<i64: 6400, 128>}, {transform_indices = @transform_1, window_bounds = array<i64: 8, 6400>}, {pipeline_mode = #tpu.pipeline_mode<synchronous>, transform_indices = @transform_2, window_bounds = array<i64: 6400, 128>}, {pipeline_mode = #tpu.pipeline_mode<synchronous>, transform_indices = @transform_3, window_bounds = array<i64: 8, 128>}, {pipeline_mode = #tpu.pipeline_mode<synchronous>, transform_indices = @transform_4, window_bounds = array<i64: 8, 128>}, {transform_indices = @transform_5, window_bounds = array<i64: 6400, 128>}]} {
    %get3A = arith.constant 0 : index
    %get3A_0 = arith.constant 0 : index
    %get3A_1 = vector.load %arg1[%get3A, %get3A_0] : memref<6400x128xf32, #tpu.memory_space<vmem>>, vector<6400x128xf32>
    %get3A_2 = arith.constant 0 : index
    %get3A_3 = arith.constant 0 : index
    %get3A_4 = vector.load %arg3[%get3A_2, %get3A_3] : memref<6400x128xf32, #tpu.memory_space<vmem>>, vector<6400x128xf32>
    %add3A = arith.addf %get3A_1, %get3A_4 : vector<6400x128xf32>
    %get3A_5 = arith.constant 0 : index
    %get3A_6 = arith.constant 0 : index
    %get3A_7 = vector.load %arg2[%get3A_5, %get3A_6] : memref<8x6400xf32, #tpu.memory_space<vmem>>, vector<8x6400xf32>
    %get3A_8 = arith.constant 0 : index
    %get3A_9 = arith.constant 0 : index
    %get3A_10 = vector.load %arg4[%get3A_8, %get3A_9] : memref<8x128xf32, #tpu.memory_space<vmem>>, vector<8x128xf32>
    %dot_general3A = arith.constant dense<0.000000e+00> : vector<6400x128xf32>
    %dot_general3A_11 = tpu.matmul %get3A_7, %get3A_10, %dot_general3A {dimension_numbers = #tpu.dot_dimension_numbers<[0], [0], [1], [1], [0, 1, 1, 1], [], []>, precision = #tpu.contract_precision<fp32>, transpose_lhs_hint = false} : vector<8x6400xf32>, vector<8x128xf32>, vector<6400x128xf32> -> vector<6400x128xf32>
    %add3A_12 = arith.addf %add3A, %dot_general3A_11 : vector<6400x128xf32>
    %reduce_sum3A = arith.constant dense<0.000000e+00> : vector<6400xf32>
    %reduce_sum3A_13 = vector.multi_reduction <add>, %add3A_12, %reduce_sum3A [1] : vector<6400x128xf32> to vector<6400xf32>
    %broadcast_in_dim3A = vector.shape_cast %reduce_sum3A_13 : vector<6400xf32> to vector<6400x1xf32>
    %div3A = arith.constant 1.280000e+02 : f32
    %div3A_14 = vector.broadcast %div3A : f32 to vector<6400x1xf32>
    %div3A_15 = arith.divf %broadcast_in_dim3A, %div3A_14 : vector<6400x1xf32>
    %sub3A = vector.broadcast %div3A_15 : vector<6400x1xf32> to vector<6400x128xf32>
    %sub3A_16 = arith.subf %add3A_12, %sub3A : vector<6400x128xf32>
    %mul3A = arith.mulf %sub3A_16, %sub3A_16 : vector<6400x128xf32>
    %reduce_sum3A_17 = arith.constant dense<0.000000e+00> : vector<6400xf32>
    %reduce_sum3A_18 = vector.multi_reduction <add>, %mul3A, %reduce_sum3A_17 [1] : vector<6400x128xf32> to vector<6400xf32>
    %broadcast_in_dim3A_19 = vector.shape_cast %reduce_sum3A_18 : vector<6400xf32> to vector<6400x1xf32>
    %div3A_20 = arith.constant 1.280000e+02 : f32
    %div3A_21 = vector.broadcast %div3A_20 : f32 to vector<6400x1xf32>
    %div3A_22 = arith.divf %broadcast_in_dim3A_19, %div3A_21 : vector<6400x1xf32>
    %add3A_23 = arith.constant 9.99999974E-6 : f32
    %add3A_24 = vector.broadcast %add3A_23 : f32 to vector<6400x1xf32>
    %add3A_25 = arith.addf %div3A_22, %add3A_24 : vector<6400x1xf32>
    %rsqrt3A = math.rsqrt %add3A_25 : vector<6400x1xf32>
    %mul3A_26 = vector.broadcast %rsqrt3A : vector<6400x1xf32> to vector<6400x128xf32>
    %mul3A_27 = arith.mulf %sub3A_16, %mul3A_26 : vector<6400x128xf32>
    %get3A_28 = arith.constant 0 : index
    %get3A_29 = arith.constant 0 : index
    %get3A_30 = vector.load %arg5[%get3A_28, %get3A_29] : memref<8x128xf32, #tpu.memory_space<vmem>>, vector<8x128xf32>
    %slice3A = vector.extract_strided_slice %get3A_30 {offsets = [0, 0], sizes = [1, 128], strides = [1, 1]} : vector<8x128xf32> to vector<1x128xf32>
    %mul3A_31 = vector.broadcast %slice3A : vector<1x128xf32> to vector<6400x128xf32>
    %mul3A_32 = arith.mulf %mul3A_27, %mul3A_31 : vector<6400x128xf32>
    %slice3A_33 = vector.extract_strided_slice %get3A_30 {offsets = [1, 0], sizes = [1, 128], strides = [1, 1]} : vector<8x128xf32> to vector<1x128xf32>
    %add3A_34 = vector.broadcast %slice3A_33 : vector<1x128xf32> to vector<6400x128xf32>
    %add3A_35 = arith.addf %mul3A_32, %add3A_34 : vector<6400x128xf32>
    %swap3A = arith.constant 0 : index
    %swap3A_36 = arith.constant 0 : index
    %swap3A_37 = vector.load %arg6[%swap3A, %swap3A_36] : memref<6400x128xf32, #tpu.memory_space<vmem>>, vector<6400x128xf32>
    tpu.vector_store %arg6[%swap3A, %swap3A_36], %add3A_35 {strides = array<i32>} : memref<6400x128xf32, #tpu.memory_space<vmem>>, vector<6400x128xf32>,
    return
  }
  func.func @transform_0(%arg0: i32) -> (i32, i32) {
    %c0_i32 = arith.constant 0 : i32
    %c0_i32_0 = arith.constant 0 : i32
    return %arg0, %c0_i32 : i32, i32
  }
  func.func @transform_1(%arg0: i32) -> (i32, i32) {
    %c0_i32 = arith.constant 0 : i32
    %c0_i32_0 = arith.constant 0 : i32
    return %c0_i32, %arg0 : i32, i32
  }
  func.func @transform_2(%arg0: i32) -> (i32, i32) {
    %c0_i32 = arith.constant 0 : i32
    %c0_i32_0 = arith.constant 0 : i32
    %c0_i32_1 = arith.constant 0 : i32
    return %c0_i32, %c0_i32_0 : i32, i32
  }
  func.func @transform_3(%arg0: i32) -> (i32, i32) {
    %c0_i32 = arith.constant 0 : i32
    %c0_i32_0 = arith.constant 0 : i32
    %c0_i32_1 = arith.constant 0 : i32
    return %c0_i32, %c0_i32_0 : i32, i32
  }
  func.func @transform_4(%arg0: i32) -> (i32, i32) {
    %c0_i32 = arith.constant 0 : i32
    %c0_i32_0 = arith.constant 0 : i32
    %c0_i32_1 = arith.constant 0 : i32
    return %c0_i32, %c0_i32_0 : i32, i32
  }
  func.func @transform_5(%arg0: i32) -> (i32, i32) {
    %add3A = arith.constant 0 : i32
    %add3A_0 = arith.addi %arg0, %add3A : i32
    %c0_i32 = arith.constant 0 : i32
    %c0_i32_1 = arith.constant 0 : i32
    return %add3A_0, %c0_i32 : i32, i32
  }
}

module attributes {stable_mosaic.version = 14 : i64} {
  func.func @body(%arg0: i32, %arg1: memref<8x128xf32, #tpu.memory_space<vmem>>, %arg2: memref<6400x128xf32, #tpu.memory_space<vmem>>, %arg3: memref<8x6400xf32, #tpu.memory_space<vmem>>, %arg4: memref<6400x128xf32, #tpu.memory_space<vmem>>, %arg5: memref<8x128xf32, #tpu.memory_space<vmem>>, %arg6: memref<8x128xf32, #tpu.memory_space<vmem>>, %arg7: memref<6400x128xf32, #tpu.memory_space<vmem>>) attributes {dimension_semantics = [#tpu.dimension_semantics<arbitrary>], iteration_bounds = array<i64: 16>, scalar_prefetch = 0 : i64, scratch_operands = 0 : i64, tpu.core_type = #tpu.core_type<tc>, window_params = [{transform_indices = @transform_0, window_bounds = array<i64: 8, 128>}, {transform_indices = @transform_1, window_bounds = array<i64: 6400, 128>}, {transform_indices = @transform_2, window_bounds = array<i64: 8, 6400>}, {pipeline_mode = #tpu.pipeline_mode<synchronous>, transform_indices = @transform_3, window_bounds = array<i64: 6400, 128>}, {pipeline_mode = #tpu.pipeline_mode<synchronous>, transform_indices = @transform_4, window_bounds = array<i64: 8, 128>}, {pipeline_mode = #tpu.pipeline_mode<synchronous>, transform_indices = @transform_5, window_bounds = array<i64: 8, 128>}, {transform_indices = @transform_6, window_bounds = array<i64: 6400, 128>}]} {
    %get3A = arith.constant 0 : index
    %get3A_0 = arith.constant 0 : index
    %get3A_1 = vector.load %arg2[%get3A, %get3A_0] : memref<6400x128xf32, #tpu.memory_space<vmem>>, vector<6400x128xf32>
    %get3A_2 = arith.constant 0 : index
    %get3A_3 = arith.constant 0 : index
    %get3A_4 = vector.load %arg4[%get3A_2, %get3A_3] : memref<6400x128xf32, #tpu.memory_space<vmem>>, vector<6400x128xf32>
    %add3A = arith.addf %get3A_1, %get3A_4 : vector<6400x128xf32>
    %get3A_5 = arith.constant 0 : index
    %get3A_6 = arith.constant 0 : index
    %get3A_7 = vector.load %arg3[%get3A_5, %get3A_6] : memref<8x6400xf32, #tpu.memory_space<vmem>>, vector<8x6400xf32>
    %get3A_8 = arith.constant 0 : index
    %get3A_9 = arith.constant 0 : index
    %get3A_10 = vector.load %arg5[%get3A_8, %get3A_9] : memref<8x128xf32, #tpu.memory_space<vmem>>, vector<8x128xf32>
    %dot_general3A = arith.constant dense<0.000000e+00> : vector<6400x128xf32>
    %dot_general3A_11 = tpu.matmul %get3A_7, %get3A_10, %dot_general3A {dimension_numbers = #tpu.dot_dimension_numbers<[0], [0], [1], [1], [0, 1, 1, 1], [], []>, precision = #tpu.contract_precision<fp32>, transpose_lhs_hint = false} : vector<8x6400xf32>, vector<8x128xf32>, vector<6400x128xf32> -> vector<6400x128xf32>
    %add3A_12 = arith.addf %add3A, %dot_general3A_11 : vector<6400x128xf32>
    %reduce_sum3A = arith.constant dense<0.000000e+00> : vector<6400xf32>
    %reduce_sum3A_13 = vector.multi_reduction <add>, %add3A_12, %reduce_sum3A [1] : vector<6400x128xf32> to vector<6400xf32>
    %broadcast_in_dim3A = vector.shape_cast %reduce_sum3A_13 : vector<6400xf32> to vector<6400x1xf32>
    %div3A = arith.constant 1.280000e+02 : f32
    %div3A_14 = vector.broadcast %div3A : f32 to vector<6400x1xf32>
    %div3A_15 = arith.divf %broadcast_in_dim3A, %div3A_14 : vector<6400x1xf32>
    %sub3A = vector.broadcast %div3A_15 : vector<6400x1xf32> to vector<6400x128xf32>
    %sub3A_16 = arith.subf %add3A_12, %sub3A : vector<6400x128xf32>
    %mul3A = arith.mulf %sub3A_16, %sub3A_16 : vector<6400x128xf32>
    %reduce_sum3A_17 = arith.constant dense<0.000000e+00> : vector<6400xf32>
    %reduce_sum3A_18 = vector.multi_reduction <add>, %mul3A, %reduce_sum3A_17 [1] : vector<6400x128xf32> to vector<6400xf32>
    %broadcast_in_dim3A_19 = vector.shape_cast %reduce_sum3A_18 : vector<6400xf32> to vector<6400x1xf32>
    %div3A_20 = arith.constant 1.280000e+02 : f32
    %div3A_21 = vector.broadcast %div3A_20 : f32 to vector<6400x1xf32>
    %div3A_22 = arith.divf %broadcast_in_dim3A_19, %div3A_21 : vector<6400x1xf32>
    %add3A_23 = arith.constant 9.99999974E-6 : f32
    %add3A_24 = vector.broadcast %add3A_23 : f32 to vector<6400x1xf32>
    %add3A_25 = arith.addf %div3A_22, %add3A_24 : vector<6400x1xf32>
    %rsqrt3A = math.rsqrt %add3A_25 : vector<6400x1xf32>
    %mul3A_26 = vector.broadcast %rsqrt3A : vector<6400x1xf32> to vector<6400x128xf32>
    %mul3A_27 = arith.mulf %sub3A_16, %mul3A_26 : vector<6400x128xf32>
    %get3A_28 = arith.constant 0 : index
    %get3A_29 = arith.constant 0 : index
    %get3A_30 = vector.load %arg6[%get3A_28, %get3A_29] : memref<8x128xf32, #tpu.memory_space<vmem>>, vector<8x128xf32>
    %slice3A = vector.extract_strided_slice %get3A_30 {offsets = [0, 0], sizes = [1, 128], strides = [1, 1]} : vector<8x128xf32> to vector<1x128xf32>
    %mul3A_31 = vector.broadcast %slice3A : vector<1x128xf32> to vector<6400x128xf32>
    %mul3A_32 = arith.mulf %mul3A_27, %mul3A_31 : vector<6400x128xf32>
    %slice3A_33 = vector.extract_strided_slice %get3A_30 {offsets = [1, 0], sizes = [1, 128], strides = [1, 1]} : vector<8x128xf32> to vector<1x128xf32>
    %add3A_34 = vector.broadcast %slice3A_33 : vector<1x128xf32> to vector<6400x128xf32>
    %add3A_35 = arith.addf %mul3A_32, %add3A_34 : vector<6400x128xf32>
    %swap3A = arith.constant 0 : index
    %swap3A_36 = arith.constant 0 : index
    %swap3A_37 = vector.load %arg7[%swap3A, %swap3A_36] : memref<6400x128xf32, #tpu.memory_space<vmem>>, vector<6400x128xf32>
    tpu.vector_store %arg7[%swap3A, %swap3A_36], %add3A_35 {strides = array<i32>} : memref<6400x128xf32, #tpu.memory_space<vmem>>, vector<6400x128xf32>,
    return
  }
  func.func @transform_0(%arg0: i32) -> (i32, i32) {
    %c0_i32 = arith.constant 0 : i32
    %c0_i32_0 = arith.constant 0 : i32
    %c0_i32_1 = arith.constant 0 : i32
    return %c0_i32, %c0_i32_0 : i32, i32
  }
  func.func @transform_1(%arg0: i32) -> (i32, i32) {
    %c0_i32 = arith.constant 0 : i32
    %c0_i32_0 = arith.constant 0 : i32
    return %arg0, %c0_i32 : i32, i32
  }
  func.func @transform_2(%arg0: i32) -> (i32, i32) {
    %c0_i32 = arith.constant 0 : i32
    %c0_i32_0 = arith.constant 0 : i32
    return %c0_i32, %arg0 : i32, i32
  }
  func.func @transform_3(%arg0: i32) -> (i32, i32) {
    %c0_i32 = arith.constant 0 : i32
    %c0_i32_0 = arith.constant 0 : i32
    %c0_i32_1 = arith.constant 0 : i32
    return %c0_i32, %c0_i32_0 : i32, i32
  }
  func.func @transform_4(%arg0: i32) -> (i32, i32) {
    %c0_i32 = arith.constant 0 : i32
    %c0_i32_0 = arith.constant 0 : i32
    %c0_i32_1 = arith.constant 0 : i32
    return %c0_i32, %c0_i32_0 : i32, i32
  }
  func.func @transform_5(%arg0: i32) -> (i32, i32) {
    %c0_i32 = arith.constant 0 : i32
    %c0_i32_0 = arith.constant 0 : i32
    %c0_i32_1 = arith.constant 0 : i32
    return %c0_i32, %c0_i32_0 : i32, i32
  }
  func.func @transform_6(%arg0: i32) -> (i32, i32) {
    %add3A = arith.constant 16 : i32
    %add3A_0 = arith.addi %arg0, %add3A : i32
    %c0_i32 = arith.constant 0 : i32
    %c0_i32_1 = arith.constant 0 : i32
    return %add3A_0, %c0_i32 : i32, i32
  }
}

</mosaic_0001>

<sc_bundles>
// kernel: kernel.6.cloned.1.call-start
scs
__scs_entry_jumppad:
0x0: {  	(pc) =	sbr.rel $0x88, $3  }
0x1: {  	(tag) =	ssettag $0x0;
	lr =	simm.s32 $0x1  }
0x2: {  	[smem:$0x3F9A] =	sst lr;
	_ =	strace $0xD0000000  }
0x3: {  	_ = 	snop  }
0x4: {  	_ = 	snop  }
0x5: {  	_ = 	snop  }
0x6: {  	_ = 	snop  }
0x7: {  	_ = 	snop  }
__scs_overlays_trampoline_lowered:
0x8: {  	[smem:$0x3FA9] =	sst s0  }
0x9: {  	[smem:$0x3FAA] =	sst s1  }
0xa: {  	[smem:$0x3FAB] =	sst s2  }
0xb: {  	[smem:$0x3FAC] =	sst s3  }
0xc: {  	[smem:$0x3FAD] =	sst s4  }
0xd: {  	[smem:$0x3FAE] =	sst s5  }
0xe: {  	[smem:$0x3FAF] =	sst s6  }
0xf: {  	[smem:$0x3FB0] =	sst s7  }
0x10: {  	[smem:$0x3FB1] =	sst s8  }
0x11: {  	[smem:$0x3FB2] =	sst s9;
	s0 =	simm.s32 @!p0 $0x0  }
0x12: {  	s1 =	sld [smem:$0x3F98];
	s0 =	simm.s32 @p0 $0x1  }
0x13: {  	[smem:$0x3FB3] =	sst s0;
	s0 =	simm.s32 @!p1 $0x0  }
0x14: {  	s2 =	sld [smem:$0x3F97];
	s0 =	simm.s32 @p1 $0x1  }
0x15: {  	[smem:$0x3FB4] =	sst s0;
	s0 =	simm.s32 @!p2 $0x0  }
0x16: {  	s3 =	sld [smem:$0x3FDB];
	s0 =	simm.s32 @p2 $0x1  }
0x17: {  	s4 =	simm.s32 $0x1BF5;
	[smem:$0x3FB6] =	sst s0  }
0x18: {  	s0 =	sld [smem:$0x3F99];
	_ =	swait.ge [sflag:s4], $0x0  }
0x19: {  	s7 =	sld [smem:$0x3F9A]  }
0x1a: {  	s8 =	sadd.s32 $0xFFFFE003, lr  }
0x1b: {  	s9 =	sadd.s32 $0xFFFFFEF7, lr;
	s5 =	simm.s32 $0xFFFFFFFF;
	p2 =	slt.u32 s8, $0xFFFFF086  }
0x1c: {  	p1 =	slt.u32 s9, $0xF7A;
	s5 =	simm.s32 @!p2 $0x0  }
0x1d: {  	s5 =	simm.s32 @p1 $0x1;
	p0 =	seq.s32 s7, s2  }
0x1e: {  	s7 =	smul.u32 @!p0 $0xF7A, s2;
	p2 =	seq.s32 @!p0 s5, $0x0  }
0x1f: {  	s9 =	smul.u32 $0xF7A, s1;
	s8 =	simm.s32 @!p0 $0x1BF5;
	p2 =	por !p2, p0  }
0x20: {  	[sflag:s8] =	ssyncset.s32 @!p0 $0xFFFFF086;
	s6 =	sadd.s32 @!p0 s3, s7;
	s7 =	simm.s32 @!p0 $0x108  }
0x21: {  	s3 =	sadd.s32 s3, s9;
	s6 =	sadd.s32 @!p0 $0x88, s6;
	s7 =	simm.s32 @p2 $0x1082  }
0x22: {  	[simem:s7], [sflag:s8] =	dma.local @!p0 [hbm:s6], $0xF7A  }
0x23: {  	s9 =	sor.u32 $0xD0000000, s2;
	s6 =	simm.s32 $0x108;
	_ =	swait.ge @!p0 [sflag:s8], $0x0  }
0x24: {  	s3 =	sadd.s32 $0x88, s3;
	s6 =	simm.s32 @!p1 $0x1082;
	[sflag:s4] =	ssyncset.s32 $0xFFFFF086  }
0x25: {  	[simem:s6], [sflag:s4] =	dma.local [hbm:s3], $0xF7A  }
0x26: {  	[smem:$0x3F9A] =	sst s1;
	(tag) =	ssettag s2;
	_ =	strace s9  }
0x27: {  	s1 =	sld [smem:$0x3FAA]  }
0x28: {  	s2 =	sld [smem:$0x3FAB]  }
0x29: {  	s4 =	sld [smem:$0x3FAD]  }
0x2a: {  	p0 =	seq.s32 s5, $0x0;
	s5 =	sld [smem:$0x3FAE]  }
0x2b: {  	s6 =	sld [smem:$0x3FAF]  }
0x2c: {  	s7 =	sld [smem:$0x3FB0]  }
0x2d: {  	s3 =	simm.s32 $0x108;
	s8 =	sld [smem:$0x3FB1]  }
0x2e: {  	s3 =	simm.s32 @!p0 $0x1082;
	s9 =	sld [smem:$0x3FB2]  }
0x2f: {  	lr =	sadd.s32 s0, s3;
	s0 =	sld [smem:$0x3FA9]  }
0x30: {  	s3 =	sld [smem:$0x3FAC]  }
0x31: {  	[smem:$0x3FB5] =	sst s10  }
0x32: {  	s10 =	sld [smem:$0x3FB3];
	_ =	sdelay $0x3  }
0x33: {  	p0 =	seq.s32 s10, $0x1;
	s10 =	sld [smem:$0x3FB5];
	_ =	sdelay $0x3  }
0x34: {  	[smem:$0x3FB5] =	sst s10  }
0x35: {  	s10 =	sld [smem:$0x3FB4];
	_ =	sdelay $0x3  }
0x36: {  	p1 =	seq.s32 s10, $0x1;
	s10 =	sld [smem:$0x3FB5];
	_ =	sdelay $0x3  }
0x37: {  	[smem:$0x3FB5] =	sst s10  }
0x38: {  	s10 =	sld [smem:$0x3FB6]  }
0x39: {  	_ = 	snop;
	(pc) =	sbr.ind lr, $3  }
0x3a: {  	_ = 	snop  }
0x3b: {  	_ = 	snop  }
0x3c: {  	p2 =	seq.s32 s10, $0x1;
	s10 =	sld [smem:$0x3FB5]  }
0x3d: {  	_ =	shalt  }
0x3e: {  	_ =	shalt  }
0x3f: {  	_ =	shalt  }
0x40: {  	_ =	shalt  }
0x41: {  	_ =	shalt  }
0x42: {  	_ =	shalt  }
0x43: {  	_ =	shalt  }
0x44: {  	_ =	shalt  }
0x45: {  	_ =	shalt  }
0x46: {  	_ =	shalt  }
0x47: {  	_ =	shalt  }
0x48: {  	_ =	shalt  }
0x49: {  	_ =	shalt  }
0x4a: {  	_ =	shalt  }
0x4b: {  	_ =	shalt  }
0x4c: {  	_ =	shalt  }
0x4d: {  	_ =	shalt  }
0x4e: {  	_ =	shalt  }
0x4f: {  	_ =	shalt  }
0x50: {  	_ =	shalt  }
0x51: {  	_ =	shalt  }
0x52: {  	_ =	shalt  }
0x53: {  	_ =	shalt  }
0x54: {  	_ =	shalt  }
0x55: {  	_ =	shalt  }
0x56: {  	_ =	shalt  }
0x57: {  	_ =	shalt  }
0x58: {  	_ =	shalt  }
0x59: {  	_ =	shalt  }
0x5a: {  	_ =	shalt  }
0x5b: {  	_ =	shalt  }
0x5c: {  	_ =	shalt  }
0x5d: {  	_ =	shalt  }
0x5e: {  	_ =	shalt  }
0x5f: {  	_ =	shalt  }
0x60: {  	_ =	shalt  }
0x61: {  	_ =	shalt  }
0x62: {  	_ =	shalt  }
0x63: {  	_ =	shalt  }
0x64: {  	_ =	shalt  }
0x65: {  	_ =	shalt  }
0x66: {  	_ =	shalt  }
0x67: {  	_ =	shalt  }
0x68: {  	_ =	shalt  }
0x69: {  	_ =	shalt  }
0x6a: {  	_ =	shalt  }
0x6b: {  	_ =	shalt  }
0x6c: {  	_ =	shalt  }
0x6d: {  	_ =	shalt  }
0x6e: {  	_ =	shalt  }
0x6f: {  	_ =	shalt  }
0x70: {  	_ =	shalt  }
0x71: {  	_ =	shalt  }
0x72: {  	_ =	shalt  }
0x73: {  	_ =	shalt  }
0x74: {  	_ =	shalt  }
0x75: {  	_ =	shalt  }
0x76: {  	_ =	shalt  }
0x77: {  	_ =	shalt  }
0x78: {  	_ =	shalt  }
0x79: {  	_ =	shalt  }
0x7a: {  	_ =	shalt  }
0x7b: {  	_ =	shalt  }
0x7c: {  	_ =	shalt  }
0x7d: {  	_ =	shalt  }
0x7e: {  	_ =	shalt  }
0x7f: {  	_ =	shalt  }
0x80: {  	_ =	shalt  }
0x81: {  	_ =	shalt  }
0x82: {  	_ =	shalt  }
0x83: {  	_ =	shalt  }
0x84: {  	_ =	shalt  }
0x85: {  	_ =	shalt  }
0x86: {  	_ =	shalt  }
0x87: {  	_ =	shalt  }
.Lfunc_end0:
.L_simem_size_0:
called_computation_lowered:
.L_overlay_start_0:
0x88: {  	s2 =	sld [smem:$0x3FD9]  }
0x89: {  	s3 =	sld [smem:$0x3FFE];
	_ =	sdelay $0x1  }
0x8a: {  	s1 =	srdreg.scid  }
0x8b: {  	s0 =	sand.u32 $0x1, s1  }
0x8c: {  	s17 =	sshll.u32 s0, $0xA;
	s2 =	sadd.s32 s3, s2  }
0x8d: {  	s2 =	sadd.s32 s2, s17  }
0x8e: {  	[smem:$0x3FC1] =	sst s2  }
0x8f: {  	_ = 	snop  }
0x90: {  	s2 =	sld [smem:$0x3FC7]  }
0x91: {  	s18 =	sld [smem:$0x3FD0];
	(tm) =	ssettm $0x1  }
0x92: {  	s4 =	sld [smem:$0x3FFB];
	_ =	sdelay $0x3  }
0x93: {  	_ =	strace s4  }
0x94: {  	s4 =	sld [smem:$0x3FFC];
	_ =	sdelay $0x3  }
0x95: {  	_ =	strace s4  }
0x96: {  	s4 =	sld [smem:$0x3FFD];
	_ =	sdelay $0x3  }
0x97: {  	_ =	strace s4  }
0x98: {  	_ =	strace $0x8FFFFFFF  }
0x99: {  	s19 =	sld [smem:$0x3FDB];
	_ =	sdelay $0x1  }
0x9a: {  	s5 =	simm.s32 $_scs_section_size  }
0x9b: {  	s6 =	simm.s32 $_size__tile_overlayer_lowered;
	s7 =	simm.s32 $_tile_overlayer_lowered  }
0x9c: {  	s22 =	simm.s32 $0x1BFF;
	s21 =	sshll.u32 s7, $0x1;
	s4 =	sadd.s32 s5, s19  }
0x9d: {  	s8 =	simm.s32 $0x0;
	s20 =	sshll.u32 s6, $0x1;
	s6 =	sadd.s32 s21, s4  }
0x9e: {  	[timem:s8], [sflag:s22] =	dma.local [hbm:s6], s20  }
0x9f: {  	_ =	swait.ge [sflag:s22], s20  }
0xa0: {  	s5 =	ssub.s32 $0x0, s20;
	[sflag:s22] =	ssyncset.done $0x0  }
0xa1: {  	[sflag:s22] =	ssyncadd.s32 s5;
	_ =	sdelay $0x1  }
0xa2: {  	s23 =	simm.s32 $0x1B8B  }
0xa3: {  	_ =	swait.ge [sflag:s23], $0x1  }
0xa4: {  	[sflag:s23] =	ssyncset.done $0x0  }
0xa5: {  	s25 =	simm.s32 $0x1B8E;
	s24 =	sld [smem:$0x3FFE];
	[sflag:s23] =	ssyncadd.s32 $0xFFFFFFFF  }
0xa6: {  	s26 =	simm.s32 $execute0_lowered;
	[smem:$0x3FD2] =	sst s25  }
0xa7: {  	s6 =	sshll.u32 s26, $0x1;
	_ =	strace $0x80000046;
	[dreg:$0x1] =	wrdreg $0xFFFFFFFF  }
0xa8: {  	s28 =	simm.s32 $_size_execute0_lowered;
	s4 =	sadd.s32 s4, s6;
	[dreg:$0x0] =	wrdreg $0x0  }
0xa9: {  	s6 =	sshll.u32 s28, $0x1;
	[dreg:$0x2] =	wrdreg s4  }
0xaa: {  	[dreg:$0x3] =	wrdreg s6  }
0xab: {  	[dreg:$0x4] =	wrdreg $0xC0  }
0xac: {  	_ =	task [dreg:s8], $0x5FFFF  }
0xad: {  	[dreg:$0x1] =	wrdreg $0xFFFFFFFF  }
0xae: {  	[dreg:$0x0] =	wrdreg $0x60  }
0xaf: {  	[dreg:$0x2] =	wrdreg s2  }
0xb0: {  	[dreg:$0x3] =	wrdreg s18  }
0xb1: {  	[dreg:$0x4] =	wrdreg s24  }
0xb2: {  	[dreg:$0x5] =	wrdreg $0x9  }
0xb3: {  	_ =	task.clear_ibuf [dreg:s8], $0x6FFFF;
	_ =	strace $0x90000046  }
0xb4: {  	s29 =	simm.s32 $0x9;
	_ =	strace $0x80000048  }
0xb5: {  	_ =	swait.ge [sflag:s29], $0x1  }
0xb6: {  	[sflag:s29] =	ssyncadd.s32 $0xFFFFFFFF  }
0xb7: {  	_ =	strace $0x90000048  }
0xb8: {  	_ =	sfence  }
0xb9: {  	s30 =	sld [smem:$0x0];
	_ =	sdelay $0x2  }
0xba: {  	s31 =	sshll.u32 s1, $0xD;
	s1 =	sshrl.u32 s1, $0x2  }
0xbb: {  	s3 =	sand.u32 $0x4000, s31;
	s1 =	sadd.s32 s1, s30  }
0xbc: {  	s0 =	sor.u32 s3, s0;
	s1 =	sshll.u32 s1, $0x11  }
0xbd: {  	s0 =	sor.u32 s1, s0  }
0xbe: {  	s0 =	sadd.s32 $0x8F2B, s0  }
0xbf: {  	[sflag:s0] =	ssyncadd.remote.s32 $0x1  }
0xc0: {  	_ =	sfence.sel $0xFFFF  }
0xc1: {  	[dreg:$0x0] =	wrdreg $0xFFFFFFFF;
	(pc) =	sbr.abs _section_cstart, $3  }
0xc2: {  	[dreg:$0x1] =	wrdreg $0xFFFFFFFF  }
0xc3: {  	_ =	task.clear_ibuf [dreg:s8], $0x2FFFF;
	_ =	strace $0x9FFFFFFF  }
0xc4: {  	(tm) =	ssettm $0x7FFFFFFF  }
0xc5: {  	_ =	shalt  }
tec
execute0_lowered:
.L_overlay_start_1:
0x0: {  	(tag) =	ssettag $0x1  }
0x1: {  	s1 =	rddreg [dreg:$0x0]  }
0x2: {  	s5 =	rddreg [dreg:$0x1]  }
0x3: {  	s4 =	rddreg [dreg:$0x2]  }
0x4: {  	s0 =	rddreg [dreg:$0x3];
	s3 =	simm.s32 $0x0  }
0x5: {  	s6 =	srdreg.scid;
	s2 =	stileid.u32;
	s13 =	simm.s32 $0x400  }
0x6: {  	s14 =	simm.s32 $0x5;
	s15 =	simm.s32 $0xC80;
	s16 =	simm.s32 $0x4C80  }
0x7: {  	s17 =	simm.s32 $0x1;
	s18 =	simm.s32 $0x3;
	s19 =	simm.s32 $0x100  }
0x8: {  	s20 =	simm.s32 $0x2;
	s21 =	simm.s32 $0x4;
	s22 =	simm.s32 $0x0  }
0x9: {  	[smem:$0x7FF] =	sst s3;
	s6 =	sand.u32 $0x1, s6;
	s7 =	sshll.u32 s2, $0x1  }
0xa: {  	s8 =	sshrl.u32 s2, $0x2;
	s4 =	sadd.s32 $0x1C00, s4;
	s11 =	smul.u32 $0xC8000, s2  }
0xb: {  	_ =	strace $0x80000047;
	s7 =	sor.u32 s6, s7;
	s8 =	smul.u32 $0x6400, s8  }
0xc: {  	s10 =	ssub.s32 $0x2, s6;
	s28 =	smul.u32 $0x64000, s6;
	s9 =	sshll.u32 s7, $0x7  }
0xd: {  	s7 =	smul.u32 $0x64000, s7;
	s12 =	sshrl.u32 s10, $0x1;
	s9 =	sand.u32 $0x380, s9  }
0xe: {  	s10 =	ssub.s32 s10, s12;
	s11 =	sadd.s32 s28, s11;
	s12 =	simm.s32 $0x80  }
0xf: {  	s8 =	sor.u32 s8, s9;
	s7 =	sshrl.u32 s7, $0x3;
	s30 =	sadd.s32 $0xC000, s11  }
0x10: {  	s29 =	sshrl.u32 s8, $0x3;
	s6 =	sadd.s32 s4, s7;
	s8 =	smax.u32 s10, $0x1  }
0x11: {  	s10 =	sadd.s32 $0x8000, s11;
	s31 =	sshrl.u32 s30, $0x3;
	s5 =	sadd.s32 s5, s29  }
0x12: {  	s7 =	sadd.s32 $0xC000, s6;
	s9 =	sadd.s32 $0x800, s6;
	s11 =	sadd.s32 s31, s4  }
.LBB2_1:
0x13: {  	[tilespmem:s3], [sflag:$0x5] =	stream.strided.gather [hbm4b:s5+s12], $0xC80, s13, s12, $0x38;
	[tilespmem:$0x8C80] =	vst v63  }
0x14: {  	_ =	swait.ge [sflag:s14], $0xC80  }
0x15: {  	[sflag:s14] =	ssyncset.done $0x0  }
0x16: {  	[sflag:s14] =	ssyncadd.s32 $0xFFFFF380  }
0x17: {  	[tilespmem:s15], [sflag:$0x1] =	stream.indirect.gather [hbm4b:s1+s12], $0x80, s3, s12, $0xb8;
	[tilespmem:$0x8C80] =	vst v63  }
0x18: {  	_ = 	snop  }
0x19: {  	[tilespmem:s16], [sflag:$0x2] =	stream.indirect.gather [hbm4b:s1+s12], $0x80, s12, s12, $0xb8;
	[tilespmem:$0x8C80] =	vst v63  }
0x1a: {  	_ =	swait.ge [sflag:s17], $0x4000  }
0x1b: {  	[sflag:s17] =	ssyncset.done $0x0  }
0x1c: {  	[sflag:s17] =	ssyncadd.s32 $0xFFFFC000  }
0x1d: {  	[hbm4b:s6+s3] =	stream.linear.scatter [tilespmem:s15], [sflag:$0x3], $0x4000, $0x38;
	[tilespmem:$0x8C80] =	vst v63  }
0x1e: {  	_ =	swait.ge [sflag:s18], $0x4000  }
0x1f: {  	[sflag:s18] =	ssyncset.done $0x0  }
0x20: {  	[sflag:s18] =	ssyncadd.s32 $0xFFFFC000  }
0x21: {  	[tilespmem:s15], [sflag:$0x1] =	stream.indirect.gather [hbm4b:s1+s12], $0x80, s19, s12, $0xb8;
	[tilespmem:$0x8C80] =	vst v63  }
0x22: {  	_ =	swait.ge [sflag:s20], $0x4000  }
0x23: {  	[sflag:s20] =	ssyncset.done $0x0  }
0x24: {  	[sflag:s20] =	ssyncadd.s32 $0xFFFFC000  }
0x25: {  	[hbm4b:s9+s3] =	stream.linear.scatter [tilespmem:s16], [sflag:$0x4], $0x4000, $0x38;
	[tilespmem:$0x8C80] =	vst v63  }
0x26: {  	_ =	swait.ge [sflag:s21], $0x4000  }
0x27: {  	[sflag:s21] =	ssyncset.done $0x0  }
0x28: {  	s23 =	simm.s32 $0x180;
	[sflag:s21] =	ssyncadd.s32 $0xFFFFC000  }
0x29: {  	[tilespmem:s16], [sflag:$0x2] =	stream.indirect.gather [hbm4b:s1+s12], $0x80, s23, s12, $0xb8;
	[tilespmem:$0x8C80] =	vst v63  }
0x2a: {  	_ =	swait.ge [sflag:s17], $0x4000  }
0x2b: {  	s30 =	sshrl.u32 s10, $0x3;
	[sflag:s17] =	ssyncset.done $0x0  }
0x2c: {  	s23 =	sadd.s32 s4, s30;
	[sflag:s17] =	ssyncadd.s32 $0xFFFFC000  }
0x2d: {  	[hbm4b:s23+s3] =	stream.linear.scatter [tilespmem:s15], [sflag:$0x3], $0x4000, $0x38;
	[tilespmem:$0x8C80] =	vst v63  }
0x2e: {  	_ =	swait.ge [sflag:s18], $0x4000  }
0x2f: {  	[sflag:s18] =	ssyncset.done $0x0  }
0x30: {  	s31 =	simm.s32 $0x200;
	[sflag:s18] =	ssyncadd.s32 $0xFFFFC000  }
0x31: {  	[tilespmem:s15], [sflag:$0x1] =	stream.indirect.gather [hbm4b:s1+s12], $0x80, s31, s12, $0xb8;
	[tilespmem:$0x8C80] =	vst v63  }
0x32: {  	_ =	swait.ge [sflag:s20], $0x4000  }
0x33: {  	s24 =	simm.s32 $0x280;
	s26 =	sadd.s32 $0x0, s11;
	[sflag:s20] =	ssyncset.done $0x0  }
0x34: {  	s25 =	sadd.s32 $0x8000, s10;
	s23 =	simm.s32 $0x1000;
	[sflag:s20] =	ssyncadd.s32 $0xFFFFC000  }
.LBB2_2:
0x35: {  	[hbm4b:s26+s3] =	stream.linear.scatter [tilespmem:s16], [sflag:$0x4], $0x4000, $0x38;
	[tilespmem:$0x8C80] =	vst v63  }
0x36: {  	s26 =	smov.u32 s23  }
0x37: {  	p0 =	sne.s32 s23, $0xA000;
	s23 =	sadd.s32 $0x1000, s23;
	_ =	swait.ge [sflag:s21], $0x4000  }
0x38: {  	[sflag:s21] =	ssyncset.done $0x0  }
0x39: {  	[sflag:s21] =	ssyncadd.s32 $0xFFFFC000  }
0x3a: {  	[tilespmem:s16], [sflag:$0x2] =	stream.indirect.gather [hbm4b:s1+s12], $0x80, s24, s12, $0xb8;
	[tilespmem:$0x8C80] =	vst v63  }
0x3b: {  	_ =	swait.ge [sflag:s17], $0x4000  }
0x3c: {  	s28 =	sshrl.u32 s25, $0x3;
	[sflag:s17] =	ssyncset.done $0x0  }
0x3d: {  	s28 =	sadd.s32 s4, s28;
	[sflag:s17] =	ssyncadd.s32 $0xFFFFC000  }
0x3e: {  	[hbm4b:s28+s3] =	stream.linear.scatter [tilespmem:s15], [sflag:$0x3], $0x4000, $0x38;
	[tilespmem:$0x8C80] =	vst v63  }
0x3f: {  	_ =	swait.ge [sflag:s18], $0x4000  }
0x40: {  	[sflag:s18] =	ssyncset.done $0x0  }
.Ltmp0:
0x41: {  	s28 =	sadd.s32 $0x80, s24;
	[sflag:s18] =	ssyncadd.s32 $0xFFFFC000;
	(pc) =	sbr.rel @p0 .LBB2_2-.Ltmp0, $4  }
0x42: {  	[tilespmem:s15], [sflag:$0x1] =	stream.indirect.gather [hbm4b:s1+s12], $0x80, s28, s12, $0xb8;
	[tilespmem:$0x8C80] =	vst v63  }
0x43: {  	_ =	swait.ge [sflag:s20], $0x4000  }
0x44: {  	s24 =	sadd.s32 $0x100, s24;
	[sflag:s20] =	ssyncset.done $0x0  }
0x45: {  	s25 =	sadd.s32 $0x8000, s25;
	s26 =	sadd.s32 s26, s11;
	[sflag:s20] =	ssyncadd.s32 $0xFFFFC000  }
0x46: {  	[hbm4b:s26+s3] =	stream.linear.scatter [tilespmem:s16], [sflag:$0x4], $0x4000, $0x38;
	[tilespmem:$0x8C80] =	vst v63  }
0x47: {  	_ =	swait.ge [sflag:s17], $0x4000  }
0x48: {  	[sflag:s17] =	ssyncset.done $0x0  }
0x49: {  	s22 =	sadd.s32 $0x1, s22;
	[sflag:s17] =	ssyncadd.s32 $0xFFFFC000  }
0x4a: {  	[hbm4b:s7+s3] =	stream.linear.scatter [tilespmem:s15], [sflag:$0x3], $0x4000, $0x38;
	[tilespmem:$0x8C80] =	vst v63  }
0x4b: {  	p0 =	sne.s32 s22, s8;
	_ =	swait.ge [sflag:s21], $0x4000  }
.Ltmp1:
0x4c: {  	[sflag:s21] =	ssyncset.done $0x0;
	(pc) =	sbr.rel @p0 .LBB2_1-.Ltmp1, $4  }
0x4d: {  	[sflag:s21] =	ssyncadd.s32 $0xFFFFC000  }
0x4e: {  	_ =	swait.ge [sflag:s18], $0x4000  }
0x4f: {  	[sflag:s18] =	ssyncset.done $0x0  }
0x50: {  	[sflag:s18] =	ssyncadd.s32 $0xFFFFC000  }
0x51: {  	_ =	sfence.sel $0x180000  }
0x52: {  	[bflag:$0x0] =	sbarrier.arrive $0xFFFF  }
0x53: {  	p0 =	sne.s32 s2, $0x0;
	_ =	strace $0x90000047  }
0x54: {  	s0 =	sadd.s32 @!p0 $0x100000, s0;
	[bflag:$0x2] =	sbarrier.arrive $0xFFFF  }
0x55: {  	[sflag:s0] =	ssyncadd.tile.s32 @!p0 $0x1;
	_ =	shalt  }
.Lfunc_end2:
_tile_overlayer_lowered:
.L_overlay_start_2:
0x56: {  	(tag) =	ssettag $0x2  }
0x57: {  	s0 =	rddreg [dreg:$0x0];
	s2 =	stileid.u32  }
0x58: {  	s1 =	rddreg [dreg:$0x1];
	p0 =	sne.s32 s2, $0x0  }
0x59: {  	s3 =	rddreg [dreg:$0x2];
	[bflag:$0x3] =	sbarrier.arrive $0xFFFF;
	s2 =	simm.s32 @!p0 $0x1C05  }
0x5a: {  	[timem:s3], [sflag:s2] =	dma.local @!p0 [hbm:s0], s1  }
0x5b: {  	s0 =	simm.s32 @!p0 $0x5  }
0x5c: {  	_ =	swait.ge @!p0 [sflag:s0], s1  }
0x5d: {  	s1 =	ssub.s32 @!p0 $0x0, s1;
	[sflag:s0] =	ssyncset.done @!p0 $0x0  }
0x5e: {  	[sflag:s0] =	ssyncadd.s32 @!p0 s1  }
0x5f: {  	[bflag:$0x3] =	sbarrier.arrive $0xFFFF  }
0x60: {  	_ =	shalt  }

// kernel: kernel.9.cloned.1.call-start
scs
__scs_entry_jumppad:
0x0: {  	(pc) =	sbr.rel $0x88, $3  }
0x1: {  	(tag) =	ssettag $0x0;
	lr =	simm.s32 $0x1  }
0x2: {  	[smem:$0x3F9A] =	sst lr;
	_ =	strace $0xD0000000  }
0x3: {  	_ = 	snop  }
0x4: {  	_ = 	snop  }
0x5: {  	_ = 	snop  }
0x6: {  	_ = 	snop  }
0x7: {  	_ = 	snop  }
__scs_overlays_trampoline_lowered:
0x8: {  	[smem:$0x3FA9] =	sst s0  }
0x9: {  	[smem:$0x3FAA] =	sst s1  }
0xa: {  	[smem:$0x3FAB] =	sst s2  }
0xb: {  	[smem:$0x3FAC] =	sst s3  }
0xc: {  	[smem:$0x3FAD] =	sst s4  }
0xd: {  	[smem:$0x3FAE] =	sst s5  }
0xe: {  	[smem:$0x3FAF] =	sst s6  }
0xf: {  	[smem:$0x3FB0] =	sst s7  }
0x10: {  	[smem:$0x3FB1] =	sst s8  }
0x11: {  	[smem:$0x3FB2] =	sst s9;
	s0 =	simm.s32 @!p0 $0x0  }
0x12: {  	s1 =	sld [smem:$0x3F98];
	s0 =	simm.s32 @p0 $0x1  }
0x13: {  	[smem:$0x3FB3] =	sst s0;
	s0 =	simm.s32 @!p1 $0x0  }
0x14: {  	s2 =	sld [smem:$0x3F97];
	s0 =	simm.s32 @p1 $0x1  }
0x15: {  	[smem:$0x3FB4] =	sst s0;
	s0 =	simm.s32 @!p2 $0x0  }
0x16: {  	s3 =	sld [smem:$0x3FDB];
	s0 =	simm.s32 @p2 $0x1  }
0x17: {  	s4 =	simm.s32 $0x1BF5;
	[smem:$0x3FB6] =	sst s0  }
0x18: {  	s0 =	sld [smem:$0x3F99];
	_ =	swait.ge [sflag:s4], $0x0  }
0x19: {  	s7 =	sld [smem:$0x3F9A]  }
0x1a: {  	s8 =	sadd.s32 $0xFFFFE003, lr  }
0x1b: {  	s9 =	sadd.s32 $0xFFFFFEF7, lr;
	s5 =	simm.s32 $0xFFFFFFFF;
	p2 =	slt.u32 s8, $0xFFFFF086  }
0x1c: {  	p1 =	slt.u32 s9, $0xF7A;
	s5 =	simm.s32 @!p2 $0x0  }
0x1d: {  	s5 =	simm.s32 @p1 $0x1;
	p0 =	seq.s32 s7, s2  }
0x1e: {  	s7 =	smul.u32 @!p0 $0xF7A, s2;
	p2 =	seq.s32 @!p0 s5, $0x0  }
0x1f: {  	s9 =	smul.u32 $0xF7A, s1;
	s8 =	simm.s32 @!p0 $0x1BF5;
	p2 =	por !p2, p0  }
0x20: {  	[sflag:s8] =	ssyncset.s32 @!p0 $0xFFFFF086;
	s6 =	sadd.s32 @!p0 s3, s7;
	s7 =	simm.s32 @!p0 $0x108  }
0x21: {  	s3 =	sadd.s32 s3, s9;
	s6 =	sadd.s32 @!p0 $0x88, s6;
	s7 =	simm.s32 @p2 $0x1082  }
0x22: {  	[simem:s7], [sflag:s8] =	dma.local @!p0 [hbm:s6], $0xF7A  }
0x23: {  	s9 =	sor.u32 $0xD0000000, s2;
	s6 =	simm.s32 $0x108;
	_ =	swait.ge @!p0 [sflag:s8], $0x0  }
0x24: {  	s3 =	sadd.s32 $0x88, s3;
	s6 =	simm.s32 @!p1 $0x1082;
	[sflag:s4] =	ssyncset.s32 $0xFFFFF086  }
0x25: {  	[simem:s6], [sflag:s4] =	dma.local [hbm:s3], $0xF7A  }
0x26: {  	[smem:$0x3F9A] =	sst s1;
	(tag) =	ssettag s2;
	_ =	strace s9  }
0x27: {  	s1 =	sld [smem:$0x3FAA]  }
0x28: {  	s2 =	sld [smem:$0x3FAB]  }
0x29: {  	s4 =	sld [smem:$0x3FAD]  }
0x2a: {  	p0 =	seq.s32 s5, $0x0;
	s5 =	sld [smem:$0x3FAE]  }
0x2b: {  	s6 =	sld [smem:$0x3FAF]  }
0x2c: {  	s7 =	sld [smem:$0x3FB0]  }
0x2d: {  	s3 =	simm.s32 $0x108;
	s8 =	sld [smem:$0x3FB1]  }
0x2e: {  	s3 =	simm.s32 @!p0 $0x1082;
	s9 =	sld [smem:$0x3FB2]  }
0x2f: {  	lr =	sadd.s32 s0, s3;
	s0 =	sld [smem:$0x3FA9]  }
0x30: {  	s3 =	sld [smem:$0x3FAC]  }
0x31: {  	[smem:$0x3FB5] =	sst s10  }
0x32: {  	s10 =	sld [smem:$0x3FB3];
	_ =	sdelay $0x3  }
0x33: {  	p0 =	seq.s32 s10, $0x1;
	s10 =	sld [smem:$0x3FB5];
	_ =	sdelay $0x3  }
0x34: {  	[smem:$0x3FB5] =	sst s10  }
0x35: {  	s10 =	sld [smem:$0x3FB4];
	_ =	sdelay $0x3  }
0x36: {  	p1 =	seq.s32 s10, $0x1;
	s10 =	sld [smem:$0x3FB5];
	_ =	sdelay $0x3  }
0x37: {  	[smem:$0x3FB5] =	sst s10  }
0x38: {  	s10 =	sld [smem:$0x3FB6]  }
0x39: {  	_ = 	snop;
	(pc) =	sbr.ind lr, $3  }
0x3a: {  	_ = 	snop  }
0x3b: {  	_ = 	snop  }
0x3c: {  	p2 =	seq.s32 s10, $0x1;
	s10 =	sld [smem:$0x3FB5]  }
0x3d: {  	_ =	shalt  }
0x3e: {  	_ =	shalt  }
0x3f: {  	_ =	shalt  }
0x40: {  	_ =	shalt  }
0x41: {  	_ =	shalt  }
0x42: {  	_ =	shalt  }
0x43: {  	_ =	shalt  }
0x44: {  	_ =	shalt  }
0x45: {  	_ =	shalt  }
0x46: {  	_ =	shalt  }
0x47: {  	_ =	shalt  }
0x48: {  	_ =	shalt  }
0x49: {  	_ =	shalt  }
0x4a: {  	_ =	shalt  }
0x4b: {  	_ =	shalt  }
0x4c: {  	_ =	shalt  }
0x4d: {  	_ =	shalt  }
0x4e: {  	_ =	shalt  }
0x4f: {  	_ =	shalt  }
0x50: {  	_ =	shalt  }
0x51: {  	_ =	shalt  }
0x52: {  	_ =	shalt  }
0x53: {  	_ =	shalt  }
0x54: {  	_ =	shalt  }
0x55: {  	_ =	shalt  }
0x56: {  	_ =	shalt  }
0x57: {  	_ =	shalt  }
0x58: {  	_ =	shalt  }
0x59: {  	_ =	shalt  }
0x5a: {  	_ =	shalt  }
0x5b: {  	_ =	shalt  }
0x5c: {  	_ =	shalt  }
0x5d: {  	_ =	shalt  }
0x5e: {  	_ =	shalt  }
0x5f: {  	_ =	shalt  }
0x60: {  	_ =	shalt  }
0x61: {  	_ =	shalt  }
0x62: {  	_ =	shalt  }
0x63: {  	_ =	shalt  }
0x64: {  	_ =	shalt  }
0x65: {  	_ =	shalt  }
0x66: {  	_ =	shalt  }
0x67: {  	_ =	shalt  }
0x68: {  	_ =	shalt  }
0x69: {  	_ =	shalt  }
0x6a: {  	_ =	shalt  }
0x6b: {  	_ =	shalt  }
0x6c: {  	_ =	shalt  }
0x6d: {  	_ =	shalt  }
0x6e: {  	_ =	shalt  }
0x6f: {  	_ =	shalt  }
0x70: {  	_ =	shalt  }
0x71: {  	_ =	shalt  }
0x72: {  	_ =	shalt  }
0x73: {  	_ =	shalt  }
0x74: {  	_ =	shalt  }
0x75: {  	_ =	shalt  }
0x76: {  	_ =	shalt  }
0x77: {  	_ =	shalt  }
0x78: {  	_ =	shalt  }
0x79: {  	_ =	shalt  }
0x7a: {  	_ =	shalt  }
0x7b: {  	_ =	shalt  }
0x7c: {  	_ =	shalt  }
0x7d: {  	_ =	shalt  }
0x7e: {  	_ =	shalt  }
0x7f: {  	_ =	shalt  }
0x80: {  	_ =	shalt  }
0x81: {  	_ =	shalt  }
0x82: {  	_ =	shalt  }
0x83: {  	_ =	shalt  }
0x84: {  	_ =	shalt  }
0x85: {  	_ =	shalt  }
0x86: {  	_ =	shalt  }
0x87: {  	_ =	shalt  }
.Lfunc_end0:
.L_simem_size_0:
called_computation.1_lowered:
.L_overlay_start_0:
0x88: {  	s2 =	sld [smem:$0x3FD9]  }
0x89: {  	s3 =	sld [smem:$0x3FFE];
	_ =	sdelay $0x1  }
0x8a: {  	s1 =	srdreg.scid  }
0x8b: {  	s0 =	sand.u32 $0x1, s1  }
0x8c: {  	s17 =	sshll.u32 s0, $0xA;
	s2 =	sadd.s32 s3, s2  }
0x8d: {  	s2 =	sadd.s32 s2, s17  }
0x8e: {  	[smem:$0x3FC1] =	sst s2  }
0x8f: {  	_ = 	snop  }
0x90: {  	s18 =	sld [smem:$0x3FC7];
	(tm) =	ssettm $0x1  }
0x91: {  	s19 =	sld [smem:$0x3FFB];
	_ =	sdelay $0x3  }
0x92: {  	_ =	strace s19  }
0x93: {  	s2 =	sld [smem:$0x3FFC];
	_ =	sdelay $0x3  }
0x94: {  	_ =	strace s2  }
0x95: {  	s2 =	sld [smem:$0x3FFD];
	_ =	sdelay $0x3  }
0x96: {  	_ =	strace s2  }
0x97: {  	_ =	strace $0x8FFFFFFF  }
0x98: {  	s20 =	sld [smem:$0x3FDB];
	_ =	sdelay $0x1  }
0x99: {  	s4 =	simm.s32 $_scs_section_size  }
0x9a: {  	s5 =	simm.s32 $_size__tile_overlayer_lowered;
	s6 =	simm.s32 $_tile_overlayer_lowered  }
0x9b: {  	s7 =	simm.s32 $0x1BFF;
	s21 =	sshll.u32 s6, $0x1;
	s4 =	sadd.s32 s4, s20  }
0x9c: {  	s22 =	simm.s32 $0x0;
	s5 =	sshll.u32 s5, $0x1;
	s6 =	sadd.s32 s21, s4  }
0x9d: {  	[timem:s22], [sflag:s7] =	dma.local [hbm:s6], s5  }
0x9e: {  	_ =	swait.ge [sflag:s7], s5  }
0x9f: {  	s5 =	ssub.s32 $0x0, s5;
	[sflag:s7] =	ssyncset.done $0x0  }
0xa0: {  	[sflag:s7] =	ssyncadd.s32 s5;
	_ =	sdelay $0x1  }
0xa1: {  	s23 =	simm.s32 $0x1B8B  }
0xa2: {  	_ =	swait.ge [sflag:s23], $0x1  }
0xa3: {  	[sflag:s23] =	ssyncset.done $0x0  }
0xa4: {  	[sflag:s23] =	ssyncadd.s32 $0xFFFFFFFF  }
0xa5: {  	s5 =	sld [smem:$0x0]  }
0xa6: {  	s6 =	sand.u32 $0xFFFFFFFE, s1  }
0xa7: {  	p0 =	sne.s32 s1, s6  }
0xa8: {  	s6 =	sshll.u32 @p0 s6, $0xE  }
0xa9: {  	s6 =	sadd.s32 @p0 $0x11B8D, s6;
	s7 =	sshll.u32 @p0 s5, $0x11  }
0xaa: {  	s6 =	sor.u32 @p0 s7, s6  }
0xab: {  	[sflag:s6] =	ssyncadd.remote.s32 @p0 $0x1;
	_ =	sdelay $0x1  }
0xac: {  	s6 =	simm.s32 @p0 $0x1B8D  }
0xad: {  	_ =	swait.eq @p0 [sflag:s6], $0x1  }
0xae: {  	[sflag:s6] =	ssyncadd.s32 @p0 $0xFFFFFFFF  }
0xaf: {  	s7 =	sshll.u32 @!p0 s1, $0xE  }
0xb0: {  	s7 =	sor.u32 @!p0 $0x4000, s7;
	s6 =	simm.s32 @!p0 $0x1B8D  }
0xb1: {  	s5 =	sshll.u32 @!p0 s5, $0x11;
	s7 =	sadd.s32 @!p0 $0x11B8D, s7;
	_ =	swait.eq @!p0 [sflag:s6], $0x1  }
0xb2: {  	s5 =	sor.u32 @!p0 s5, s7;
	[sflag:s6] =	ssyncadd.s32 @!p0 $0xFFFFFFFF  }
0xb3: {  	s25 =	simm.s32 $0x1B8E;
	s24 =	sld [smem:$0x3FFE];
	[sflag:s5] =	ssyncadd.remote.s32 @!p0 $0x1  }
0xb4: {  	s26 =	simm.s32 $execute0_lowered;
	[smem:$0x3FD2] =	sst s25  }
0xb5: {  	s6 =	sshll.u32 s26, $0x1;
	_ =	strace $0x80000049;
	[dreg:$0x1] =	wrdreg $0xFFFFFFFF  }
0xb6: {  	s28 =	simm.s32 $_size_execute0_lowered;
	s4 =	sadd.s32 s4, s6;
	[dreg:$0x0] =	wrdreg $0x0  }
0xb7: {  	s6 =	sshll.u32 s28, $0x1;
	[dreg:$0x2] =	wrdreg s4  }
0xb8: {  	[dreg:$0x3] =	wrdreg s6  }
0xb9: {  	[dreg:$0x4] =	wrdreg $0xC0  }
0xba: {  	_ =	task [dreg:s22], $0x5FFFF  }
0xbb: {  	[dreg:$0x1] =	wrdreg $0xFFFFFFFF  }
0xbc: {  	[dreg:$0x0] =	wrdreg $0x60  }
0xbd: {  	[dreg:$0x2] =	wrdreg s18  }
0xbe: {  	[dreg:$0x3] =	wrdreg s24  }
0xbf: {  	[dreg:$0x4] =	wrdreg $0xA  }
0xc0: {  	_ =	task.clear_ibuf [dreg:s22], $0x5FFFF;
	_ =	strace $0x90000049  }
0xc1: {  	s29 =	simm.s32 $0xA;
	_ =	strace $0x8000004B  }
0xc2: {  	_ =	swait.ge [sflag:s29], $0x1  }
0xc3: {  	[sflag:s29] =	ssyncadd.s32 $0xFFFFFFFF  }
0xc4: {  	_ =	strace $0x9000004B  }
0xc5: {  	_ =	sfence  }
0xc6: {  	s30 =	sld [smem:$0x0];
	_ =	sdelay $0x2  }
0xc7: {  	s31 =	sshll.u32 s1, $0xD;
	s1 =	sshrl.u32 s1, $0x2  }
0xc8: {  	s4 =	sand.u32 $0x4000, s31;
	s1 =	sadd.s32 s1, s30  }
0xc9: {  	s0 =	sor.u32 s4, s0;
	s1 =	sshll.u32 s1, $0x11  }
0xca: {  	s0 =	sor.u32 s1, s0  }
0xcb: {  	s0 =	sadd.s32 $0x8F2B, s0  }
0xcc: {  	[sflag:s0] =	ssyncadd.remote.s32 $0x1  }
0xcd: {  	_ =	sfence.sel $0xFFFF  }
0xce: {  	[dreg:$0x0] =	wrdreg $0xFFFFFFFF;
	(pc) =	sbr.abs _section_cstart, $3  }
0xcf: {  	[dreg:$0x1] =	wrdreg $0xFFFFFFFF  }
0xd0: {  	_ =	task.clear_ibuf [dreg:s22], $0x2FFFF;
	_ =	strace $0x9FFFFFFF  }
0xd1: {  	(tm) =	ssettm $0x7FFFFFFF  }
tec
execute0_lowered:
.L_overlay_start_1:
0x0: {  	(tag) =	ssettag $0x1  }
0x1: {  	s2 =	rddreg [dreg:$0x0];
	s1 =	srdreg.scid  }
0x2: {  	s0 =	stileid.u32;
	s4 =	rddreg [dreg:$0x1];
	s12 =	simm.s32 $0x80  }
0x3: {  	s13 =	simm.s32 $0x400;
	s14 =	simm.s32 $0x5;
	s15 =	simm.s32 $0xC80  }
0x4: {  	s16 =	simm.s32 $0x4C80;
	s17 =	simm.s32 $0x1;
	s18 =	simm.s32 $0x3  }
0x5: {  	s19 =	simm.s32 $0x100;
	s20 =	simm.s32 $0x2;
	s21 =	simm.s32 $0x4  }
0x6: {  	s22 =	simm.s32 $0x0;
	s5 =	sand.u32 $0x1, s1;
	s3 =	sshll.u32 s0, $0x1  }
0x7: {  	s1 =	rddreg [dreg:$0x2];
	s7 =	sshrl.u32 s0, $0x2;
	s9 =	smul.u32 $0xC8000, s0  }
0x8: {  	s6 =	sor.u32 s5, s3;
	s3 =	simm.s32 $0x0;
	s7 =	smul.u32 $0x6400, s7  }
0x9: {  	s30 =	ssub.s32 $0x2, s5;
	s11 =	smul.u32 $0x64000, s5;
	s8 =	sshll.u32 s6, $0x7  }
0xa: {  	[smem:$0x7FF] =	sst s3;
	s6 =	smul.u32 $0x64000, s6;
	s10 =	sshrl.u32 s30, $0x1  }
0xb: {  	s8 =	sand.u32 $0x380, s8;
	_ =	strace $0x8000004A;
	s31 =	sadd.s32 s11, s9  }
0xc: {  	s7 =	sor.u32 s7, s8;
	s8 =	ssub.s32 s30, s10;
	s6 =	sshrl.u32 s6, $0x3  }
0xd: {  	s11 =	sadd.s32 $0xC000, s31;
	s10 =	sadd.s32 $0x8000, s31;
	s7 =	sshrl.u32 s7, $0x3  }
0xe: {  	s8 =	smax.u32 s8, $0x1;
	s7 =	sadd.s32 s7, s4;
	s4 =	sadd.s32 $0x194E00, s4  }
0xf: {  	s11 =	sshrl.u32 s11, $0x3;
	s5 =	sadd.s32 $0x191C00, s7;
	s6 =	sadd.s32 s4, s6  }
0x10: {  	s11 =	sadd.s32 s11, s4;
	s7 =	sadd.s32 $0xC000, s6;
	s9 =	sadd.s32 $0x800, s6  }
.LBB2_1:
0x11: {  	[tilespmem:s3], [sflag:$0x5] =	stream.strided.gather [hbm4b:s5+s12], $0xC80, s13, s12, $0x38;
	[tilespmem:$0x8C80] =	vst v63  }
0x12: {  	_ =	swait.ge [sflag:s14], $0xC80  }
0x13: {  	[sflag:s14] =	ssyncset.done $0x0  }
0x14: {  	[sflag:s14] =	ssyncadd.s32 $0xFFFFF380  }
0x15: {  	[tilespmem:s15], [sflag:$0x1] =	stream.indirect.gather [hbm4b:s2+s12], $0x80, s3, s12, $0xb8;
	[tilespmem:$0x8C80] =	vst v63  }
0x16: {  	_ = 	snop  }
0x17: {  	[tilespmem:s16], [sflag:$0x2] =	stream.indirect.gather [hbm4b:s2+s12], $0x80, s12, s12, $0xb8;
	[tilespmem:$0x8C80] =	vst v63  }
0x18: {  	_ =	swait.ge [sflag:s17], $0x4000  }
0x19: {  	[sflag:s17] =	ssyncset.done $0x0  }
0x1a: {  	[sflag:s17] =	ssyncadd.s32 $0xFFFFC000  }
0x1b: {  	[hbm4b:s6+s3] =	stream.linear.scatter [tilespmem:s15], [sflag:$0x3], $0x4000, $0x38;
	[tilespmem:$0x8C80] =	vst v63  }
0x1c: {  	_ =	swait.ge [sflag:s18], $0x4000  }
0x1d: {  	[sflag:s18] =	ssyncset.done $0x0  }
0x1e: {  	[sflag:s18] =	ssyncadd.s32 $0xFFFFC000  }
0x1f: {  	[tilespmem:s15], [sflag:$0x1] =	stream.indirect.gather [hbm4b:s2+s12], $0x80, s19, s12, $0xb8;
	[tilespmem:$0x8C80] =	vst v63  }
0x20: {  	_ =	swait.ge [sflag:s20], $0x4000  }
0x21: {  	[sflag:s20] =	ssyncset.done $0x0  }
0x22: {  	[sflag:s20] =	ssyncadd.s32 $0xFFFFC000  }
0x23: {  	[hbm4b:s9+s3] =	stream.linear.scatter [tilespmem:s16], [sflag:$0x4], $0x4000, $0x38;
	[tilespmem:$0x8C80] =	vst v63  }
0x24: {  	_ =	swait.ge [sflag:s21], $0x4000  }
0x25: {  	[sflag:s21] =	ssyncset.done $0x0  }
0x26: {  	s23 =	simm.s32 $0x180;
	[sflag:s21] =	ssyncadd.s32 $0xFFFFC000  }
0x27: {  	[tilespmem:s16], [sflag:$0x2] =	stream.indirect.gather [hbm4b:s2+s12], $0x80, s23, s12, $0xb8;
	[tilespmem:$0x8C80] =	vst v63  }
0x28: {  	_ =	swait.ge [sflag:s17], $0x4000  }
0x29: {  	s30 =	sshrl.u32 s10, $0x3;
	[sflag:s17] =	ssyncset.done $0x0  }
0x2a: {  	s23 =	sadd.s32 s4, s30;
	[sflag:s17] =	ssyncadd.s32 $0xFFFFC000  }
0x2b: {  	[hbm4b:s23+s3] =	stream.linear.scatter [tilespmem:s15], [sflag:$0x3], $0x4000, $0x38;
	[tilespmem:$0x8C80] =	vst v63  }
0x2c: {  	_ =	swait.ge [sflag:s18], $0x4000  }
0x2d: {  	[sflag:s18] =	ssyncset.done $0x0  }
0x2e: {  	s31 =	simm.s32 $0x200;
	[sflag:s18] =	ssyncadd.s32 $0xFFFFC000  }
0x2f: {  	[tilespmem:s15], [sflag:$0x1] =	stream.indirect.gather [hbm4b:s2+s12], $0x80, s31, s12, $0xb8;
	[tilespmem:$0x8C80] =	vst v63  }
0x30: {  	_ =	swait.ge [sflag:s20], $0x4000  }
0x31: {  	s24 =	simm.s32 $0x280;
	s26 =	sadd.s32 $0x0, s11;
	[sflag:s20] =	ssyncset.done $0x0  }
0x32: {  	s25 =	sadd.s32 $0x8000, s10;
	s23 =	simm.s32 $0x1000;
	[sflag:s20] =	ssyncadd.s32 $0xFFFFC000  }
.LBB2_2:
0x33: {  	[hbm4b:s26+s3] =	stream.linear.scatter [tilespmem:s16], [sflag:$0x4], $0x4000, $0x38;
	[tilespmem:$0x8C80] =	vst v63  }
0x34: {  	s26 =	smov.u32 s23  }
0x35: {  	p0 =	sne.s32 s23, $0xA000;
	s23 =	sadd.s32 $0x1000, s23;
	_ =	swait.ge [sflag:s21], $0x4000  }
0x36: {  	[sflag:s21] =	ssyncset.done $0x0  }
0x37: {  	[sflag:s21] =	ssyncadd.s32 $0xFFFFC000  }
0x38: {  	[tilespmem:s16], [sflag:$0x2] =	stream.indirect.gather [hbm4b:s2+s12], $0x80, s24, s12, $0xb8;
	[tilespmem:$0x8C80] =	vst v63  }
0x39: {  	_ =	swait.ge [sflag:s17], $0x4000  }
0x3a: {  	s28 =	sshrl.u32 s25, $0x3;
	[sflag:s17] =	ssyncset.done $0x0  }
0x3b: {  	s28 =	sadd.s32 s4, s28;
	[sflag:s17] =	ssyncadd.s32 $0xFFFFC000  }
0x3c: {  	[hbm4b:s28+s3] =	stream.linear.scatter [tilespmem:s15], [sflag:$0x3], $0x4000, $0x38;
	[tilespmem:$0x8C80] =	vst v63  }
0x3d: {  	_ =	swait.ge [sflag:s18], $0x4000  }
0x3e: {  	[sflag:s18] =	ssyncset.done $0x0  }
.Ltmp0:
0x3f: {  	s28 =	sadd.s32 $0x80, s24;
	[sflag:s18] =	ssyncadd.s32 $0xFFFFC000;
	(pc) =	sbr.rel @p0 .LBB2_2-.Ltmp0, $4  }
0x40: {  	[tilespmem:s15], [sflag:$0x1] =	stream.indirect.gather [hbm4b:s2+s12], $0x80, s28, s12, $0xb8;
	[tilespmem:$0x8C80] =	vst v63  }
0x41: {  	_ =	swait.ge [sflag:s20], $0x4000  }
0x42: {  	s24 =	sadd.s32 $0x100, s24;
	[sflag:s20] =	ssyncset.done $0x0  }
0x43: {  	s25 =	sadd.s32 $0x8000, s25;
	s26 =	sadd.s32 s26, s11;
	[sflag:s20] =	ssyncadd.s32 $0xFFFFC000  }
0x44: {  	[hbm4b:s26+s3] =	stream.linear.scatter [tilespmem:s16], [sflag:$0x4], $0x4000, $0x38;
	[tilespmem:$0x8C80] =	vst v63  }
0x45: {  	_ =	swait.ge [sflag:s17], $0x4000  }
0x46: {  	[sflag:s17] =	ssyncset.done $0x0  }
0x47: {  	s22 =	sadd.s32 $0x1, s22;
	[sflag:s17] =	ssyncadd.s32 $0xFFFFC000  }
0x48: {  	[hbm4b:s7+s3] =	stream.linear.scatter [tilespmem:s15], [sflag:$0x3], $0x4000, $0x38;
	[tilespmem:$0x8C80] =	vst v63  }
0x49: {  	p0 =	sne.s32 s22, s8;
	_ =	swait.ge [sflag:s21], $0x4000  }
.Ltmp1:
0x4a: {  	[sflag:s21] =	ssyncset.done $0x0;
	(pc) =	sbr.rel @p0 .LBB2_1-.Ltmp1, $4  }
0x4b: {  	[sflag:s21] =	ssyncadd.s32 $0xFFFFC000  }
0x4c: {  	_ =	swait.ge [sflag:s18], $0x4000  }
0x4d: {  	[sflag:s18] =	ssyncset.done $0x0  }
0x4e: {  	[sflag:s18] =	ssyncadd.s32 $0xFFFFC000  }
0x4f: {  	_ =	sfence.sel $0x180000  }
0x50: {  	[bflag:$0x0] =	sbarrier.arrive $0xFFFF  }
0x51: {  	p0 =	sne.s32 s0, $0x0;
	_ =	strace $0x9000004A  }
0x52: {  	s0 =	sadd.s32 @!p0 $0x100000, s1;
	[bflag:$0x2] =	sbarrier.arrive $0xFFFF  }
0x53: {  	[sflag:s0] =	ssyncadd.tile.s32 @!p0 $0x1;
	_ =	shalt  }
.Lfunc_end2:
_tile_overlayer_lowered:
.L_overlay_start_2:
0x54: {  	(tag) =	ssettag $0x2  }
0x55: {  	s0 =	rddreg [dreg:$0x0];
	s2 =	stileid.u32  }
0x56: {  	s1 =	rddreg [dreg:$0x1];
	p0 =	sne.s32 s2, $0x0  }
0x57: {  	s3 =	rddreg [dreg:$0x2];
	[bflag:$0x3] =	sbarrier.arrive $0xFFFF;
	s2 =	simm.s32 @!p0 $0x1C05  }
0x58: {  	[timem:s3], [sflag:s2] =	dma.local @!p0 [hbm:s0], s1  }
0x59: {  	s0 =	simm.s32 @!p0 $0x5  }
0x5a: {  	_ =	swait.ge @!p0 [sflag:s0], s1  }
0x5b: {  	s1 =	ssub.s32 @!p0 $0x0, s1;
	[sflag:s0] =	ssyncset.done @!p0 $0x0  }
0x5c: {  	[sflag:s0] =	ssyncadd.s32 @!p0 s1  }
0x5d: {  	[bflag:$0x3] =	sbarrier.arrive $0xFFFF  }
0x5e: {  	_ =	shalt  }

</sc_bundles>
